<compile_context>
chip_gen: v7x
topology: tpu7x:2x2x1
jax: 0.10.2.dev20260603
libtpu: 0.0.44.dev20260713+nightly
codegen_flags: <defaults>
</compile_context>

<pallas_src>
import functools

import jax
import jax.numpy as jnp
from jax import lax
from jax.experimental import pallas as pl
from jax.experimental.pallas import tpu as pltpu
from jax.experimental.pallas import tpu_sc as plsc

N = 100000
D = 128
NC = 2
NS = 16
NW = NC * NS
CHUNK = 112
NCHUNK = 28
NBUF = 7
NGEN = NCHUNK // NBUF
BPW = CHUNK * NCHUNK
TAIL_IDX = N - (NW - 1) * BPW
TAILC = N % CHUNK
assert TAIL_IDX % 8 == 0 and TAILC % 8 == 0

_mesh = plsc.VectorSubcoreMesh(core_axis_name="c", subcore_axis_name="s")


@functools.partial(
    pl.kernel,
    mesh=_mesh,
    out_type=jax.ShapeDtypeStruct((N, D), jnp.float32),
    scratch_types=(
        [pltpu.VMEM((BPW,), jnp.int32),
         pltpu.VMEM_SHARED((119, D), jnp.float32)]
        + [pltpu.VMEM((CHUNK, D), jnp.float32) for _ in range(NBUF)]
        + [pltpu.SemaphoreType.DMA for _ in range(2 * NBUF)]
    ),
)
def _sc_gather(idx_hbm, table_hbm, out_hbm, idx_v, table_v, *bufs_and_sems):
    rows = bufs_and_sems[:NBUF]
    gsem = bufs_and_sems[NBUF:2 * NBUF]
    osem = bufs_and_sems[2 * NBUF:]
    wid = lax.axis_index("s") * NC + lax.axis_index("c")
    base = wid * BPW
    is_last = wid == NW - 1

    @pl.when(lax.axis_index("s") == 0)
    def _stage_table():
        pltpu.async_copy(table_hbm, table_v, bufs_and_sems[NBUF])

    @pl.when(jnp.logical_not(is_last))
    def _stage_idx():
        pltpu.sync_copy(idx_hbm.at[pl.ds(base, BPW)], idx_v)

    @pl.when(is_last)
    def _stage_idx_tail():
        pltpu.sync_copy(idx_hbm.at[pl.ds(base, TAIL_IDX)],
                        idx_v.at[pl.ds(0, TAIL_IDX)])

    @pl.when(lax.axis_index("s") == 0)
    def _stage_table_wait():
        pltpu.make_async_copy(table_hbm, table_v, bufs_and_sems[NBUF]).wait()

    plsc.subcore_barrier()

    def gather(chunk, b, size=CHUNK):
        pltpu.async_copy(
            table_v.at[idx_v.at[pl.ds(chunk * CHUNK, size)]],
            rows[b].at[pl.ds(0, size)], gsem[b])

    def scatter(chunk, b, size=CHUNK):
        pltpu.async_copy(
            rows[b].at[pl.ds(0, size)],
            out_hbm.at[pl.ds(base + chunk * CHUNK, size)], osem[b])

    def wait_g(b, size=CHUNK):
        pltpu.make_async_copy(
            table_v.at[idx_v.at[pl.ds(0, size)]],
            rows[b].at[pl.ds(0, size)], gsem[b]).wait()

    def wait_o(b, size=CHUNK):
        pltpu.make_async_copy(
            rows[b].at[pl.ds(0, size)],
            out_hbm.at[pl.ds(0, size)], osem[b]).wait()

    for b in range(NBUF):
        gather(b, b)

    def body(t, carry):
        g0 = t * NBUF
        for b in range(NBUF):
            wait_g(b)
            scatter(g0 + b, b)
        for b in range(NBUF):
            wait_o(b)
            nxt = g0 + NBUF + b
            off = base + nxt * CHUNK
            @pl.when(off + CHUNK <= N)
            def _full(nxt=nxt, b=b):
                gather(nxt, b)

            @pl.when(jnp.logical_and(off < N, off + CHUNK > N))
            def _tail(nxt=nxt, b=b):
                gather(nxt, b, TAILC)

        return carry

    lax.fori_loop(0, NGEN - 1, body, 0)

    g0 = (NGEN - 1) * NBUF
    for b in range(NBUF):
        off = base + (g0 + b) * CHUNK
        full = off + CHUNK <= N
        part = jnp.logical_and(off < N, off + CHUNK > N)

        @pl.when(full)
        def _full(b=b, c=g0 + b):
            wait_g(b)
            scatter(c, b)

        @pl.when(part)
        def _part(b=b, c=g0 + b):
            wait_g(b, TAILC)
            scatter(c, b, TAILC)

    for b in range(NBUF):
        off = base + (g0 + b) * CHUNK
        full = off + CHUNK <= N
        part = jnp.logical_and(off < N, off + CHUNK > N)

        @pl.when(full)
        def _full(b=b):
            wait_o(b)

        @pl.when(part)
        def _part(b=b):
            wait_o(b, TAILC)


def kernel(atom_indices, embedding_table):
    out = _sc_gather(atom_indices.astype(jnp.int32), embedding_table)
    return out[..., None]

# --- scband reference (transcript-rebuilt; emitter-appended) ---
"""Pipeline reference for scband-atom-embedding-9414568313049 (READ-ONLY COPY).

The authoritative reference and input builder live on the scoring server;
editing this copy changes nothing except your own understanding.
"""

import jax, jax.numpy as jnp
import numpy as np

NUM_ATOMS = 119
EMBED_DIM = 128
N = 100000

def setup_inputs(seed: int = 0) -> dict:
    key = jax.random.key(seed)
    k_idx, k_tab = jax.random.split(key)
    atom_indices = jax.random.randint(k_idx, (N,), 0, NUM_ATOMS, dtype=jnp.int64 if jax.config.jax_enable_x64 else jnp.int32)
    embedding_table = jax.random.normal(k_tab, (NUM_ATOMS, EMBED_DIM), dtype=jnp.float32)
    return {"atom_indices": atom_indices, "embedding_table": embedding_table}

def reference(atom_indices, embedding_table):
    # nn.Embedding lookup: gather rows of the table by atom index
    emb = jnp.take(embedding_table, atom_indices, axis=0)  # (N, embed_dim)
    # unsqueeze(-1): l=0 features (N, mult, repr_dim=1)
    return emb[..., None]

if __name__ == "__main__":
    import jax
    _d = setup_inputs()
    print(jax.jit(kernel)(*tuple(_d.values())))

</pallas_src>

<mosaic_0001>
#map = affine_map<(d0, d1) -> (0)>
#map1 = affine_map<(d0, d1) -> (0, 0)>
module attributes {stable_mosaic.version = 14 : i64} {
  func.func @_sc_gather(%arg0: i32, %arg1: i32, %arg2: memref<100000xi32, #tpu.memory_space<hbm>>, %arg3: memref<119x128xf32, #tpu.memory_space<hbm>>, %arg4: memref<100000x128xf32, #tpu.memory_space<hbm>>, %arg5: memref<3136xi32, #tpu.memory_space<vmem>>, %arg6: memref<119x128xf32, #tpu.memory_space<vmem_shared>>, %arg7: memref<112x128xf32, #tpu.memory_space<vmem>>, %arg8: memref<112x128xf32, #tpu.memory_space<vmem>>, %arg9: memref<112x128xf32, #tpu.memory_space<vmem>>, %arg10: memref<112x128xf32, #tpu.memory_space<vmem>>, %arg11: memref<112x128xf32, #tpu.memory_space<vmem>>, %arg12: memref<112x128xf32, #tpu.memory_space<vmem>>, %arg13: memref<112x128xf32, #tpu.memory_space<vmem>>, %arg14: memref<!tpu.dma_semaphore, #tpu.memory_space<semaphore_mem>>, %arg15: memref<!tpu.dma_semaphore, #tpu.memory_space<semaphore_mem>>, %arg16: memref<!tpu.dma_semaphore, #tpu.memory_space<semaphore_mem>>, %arg17: memref<!tpu.dma_semaphore, #tpu.memory_space<semaphore_mem>>, %arg18: memref<!tpu.dma_semaphore, #tpu.memory_space<semaphore_mem>>, %arg19: memref<!tpu.dma_semaphore, #tpu.memory_space<semaphore_mem>>, %arg20: memref<!tpu.dma_semaphore, #tpu.memory_space<semaphore_mem>>, %arg21: memref<!tpu.dma_semaphore, #tpu.memory_space<semaphore_mem>>, %arg22: memref<!tpu.dma_semaphore, #tpu.memory_space<semaphore_mem>>, %arg23: memref<!tpu.dma_semaphore, #tpu.memory_space<semaphore_mem>>, %arg24: memref<!tpu.dma_semaphore, #tpu.memory_space<semaphore_mem>>, %arg25: memref<!tpu.dma_semaphore, #tpu.memory_space<semaphore_mem>>, %arg26: memref<!tpu.dma_semaphore, #tpu.memory_space<semaphore_mem>>, %arg27: memref<!tpu.dma_semaphore, #tpu.memory_space<semaphore_mem>>) attributes {dimension_semantics = [#tpu.dimension_semantics<core_parallel>, #tpu.dimension_semantics<subcore_parallel>], iteration_bounds = array<i64: 2, 16>, scalar_prefetch = 0 : i64, scratch_operands = 23 : i64, tpu.core_type = #tpu.core_type<sc_vector_subcore>, window_params = [{transform_indices = #map}, {transform_indices = #map1}, {transform_indices = #map1}]} {
    %mul3A = arith.constant 2 : i32
    %mul3A_0 = arith.muli %arg1, %mul3A : i32
    %add3A = arith.addi %mul3A_0, %arg0 : i32
    %mul3A_1 = arith.constant 3136 : i32
    %mul3A_2 = arith.muli %add3A, %mul3A_1 : i32
    %eq3A = arith.constant 31 : i32
    %eq3A_3 = arith.cmpi eq, %add3A, %eq3A : i32
    %eq3A_4 = arith.constant 0 : i32
    %eq3A_5 = arith.cmpi eq, %arg1, %eq3A_4 : i32
    %convert_element_type3A = arith.extui %eq3A_5 : i1 to i32
    %cond3A = arith.constant 0 : i32
    %cond3A_6 = arith.cmpi ne, %convert_element_type3A, %cond3A : i32
    scf.if %cond3A_6 {
      tpu.enqueue_dma source(%arg3 : memref<119x128xf32, #tpu.memory_space<hbm>>) target(%arg6 : memref<119x128xf32, #tpu.memory_space<vmem_shared>>) target_semaphore(%arg14 : memref<!tpu.dma_semaphore, #tpu.memory_space<semaphore_mem>>)
    } else {
    }
    %not3A = arith.constant true
    %not3A_7 = arith.xori %eq3A_3, %not3A : i1
    %convert_element_type3A_8 = arith.extui %not3A_7 : i1 to i32
    %cond3A_9 = arith.constant 0 : i32
    %cond3A_10 = arith.cmpi ne, %convert_element_type3A_8, %cond3A_9 : i32
    scf.if %cond3A_10 {
      "tpu.region"() ({
        %run_scoped3A = tpu.sem_alloc : memref<!tpu.dma_semaphore, #tpu.memory_space<semaphore_mem>>
        %dma_start3A_341 = tpu.memref_slice %arg2[%mul3A_2] : memref<100000xi32, #tpu.memory_space<hbm>> -> memref<3136xi32, #tpu.memory_space<hbm>>
        %dma_start3A_342 = tpu.memref_slice %arg2[%mul3A_2] : memref<100000xi32, #tpu.memory_space<hbm>> -> memref<3136xi32, #tpu.memory_space<hbm>>
        tpu.enqueue_dma source(%dma_start3A_342 : memref<3136xi32, #tpu.memory_space<hbm>>) target(%arg5 : memref<3136xi32, #tpu.memory_space<vmem>>) target_semaphore(%run_scoped3A : memref<!tpu.dma_semaphore, #tpu.memory_space<semaphore_mem>>)
        %dma_wait3A = tpu.memref_slice %arg2[%mul3A_2] : memref<100000xi32, #tpu.memory_space<hbm>> -> memref<3136xi32, #tpu.memory_space<hbm>>
        %dma_wait3A_343 = tpu.memref_slice %arg2[%mul3A_2] : memref<100000xi32, #tpu.memory_space<hbm>> -> memref<3136xi32, #tpu.memory_space<hbm>>
        tpu.wait_dma2 semaphore(%run_scoped3A : memref<!tpu.dma_semaphore, #tpu.memory_space<semaphore_mem>>) src(%dma_wait3A_343 : memref<3136xi32, #tpu.memory_space<hbm>>) dst(%arg5 : memref<3136xi32, #tpu.memory_space<vmem>>)
        tpu.yield
      }) : () -> ()
    } else {
    }
    %convert_element_type3A_11 = arith.extui %eq3A_3 : i1 to i32
    %cond3A_12 = arith.constant 0 : i32
    %cond3A_13 = arith.cmpi ne, %convert_element_type3A_11, %cond3A_12 : i32
    scf.if %cond3A_13 {
      "tpu.region"() ({
        %run_scoped3A = tpu.sem_alloc : memref<!tpu.dma_semaphore, #tpu.memory_space<semaphore_mem>>
        %dma_start3A_341 = arith.constant 0 : i32
        %dma_start3A_342 = tpu.memref_slice %arg5[%dma_start3A_341] : memref<3136xi32, #tpu.memory_space<vmem>> -> memref<2784xi32, #tpu.memory_space<vmem>>
        %dma_start3A_343 = tpu.memref_slice %arg2[%mul3A_2] : memref<100000xi32, #tpu.memory_space<hbm>> -> memref<2784xi32, #tpu.memory_space<hbm>>
        %dma_start3A_344 = arith.constant 0 : i32
        %dma_start3A_345 = tpu.memref_slice %arg5[%dma_start3A_344] : memref<3136xi32, #tpu.memory_space<vmem>> -> memref<2784xi32, #tpu.memory_space<vmem>>
        %dma_start3A_346 = tpu.memref_slice %arg2[%mul3A_2] : memref<100000xi32, #tpu.memory_space<hbm>> -> memref<2784xi32, #tpu.memory_space<hbm>>
        tpu.enqueue_dma source(%dma_start3A_346 : memref<2784xi32, #tpu.memory_space<hbm>>) target(%dma_start3A_345 : memref<2784xi32, #tpu.memory_space<vmem>>) target_semaphore(%run_scoped3A : memref<!tpu.dma_semaphore, #tpu.memory_space<semaphore_mem>>)
        %dma_wait3A = arith.constant 0 : i32
        %dma_wait3A_347 = tpu.memref_slice %arg5[%dma_wait3A] : memref<3136xi32, #tpu.memory_space<vmem>> -> memref<2784xi32, #tpu.memory_space<vmem>>
        %dma_wait3A_348 = tpu.memref_slice %arg2[%mul3A_2] : memref<100000xi32, #tpu.memory_space<hbm>> -> memref<2784xi32, #tpu.memory_space<hbm>>
        %dma_wait3A_349 = arith.constant 0 : i32
        %dma_wait3A_350 = tpu.memref_slice %arg5[%dma_wait3A_349] : memref<3136xi32, #tpu.memory_space<vmem>> -> memref<2784xi32, #tpu.memory_space<vmem>>
        %dma_wait3A_351 = tpu.memref_slice %arg2[%mul3A_2] : memref<100000xi32, #tpu.memory_space<hbm>> -> memref<2784xi32, #tpu.memory_space<hbm>>
        tpu.wait_dma2 semaphore(%run_scoped3A : memref<!tpu.dma_semaphore, #tpu.memory_space<semaphore_mem>>) src(%dma_wait3A_351 : memref<2784xi32, #tpu.memory_space<hbm>>) dst(%dma_wait3A_350 : memref<2784xi32, #tpu.memory_space<vmem>>)
        tpu.yield
      }) : () -> ()
    } else {
    }
    %eq3A_14 = arith.constant 0 : i32
    %eq3A_15 = arith.cmpi eq, %arg1, %eq3A_14 : i32
    %convert_element_type3A_16 = arith.extui %eq3A_15 : i1 to i32
    %cond3A_17 = arith.constant 0 : i32
    %cond3A_18 = arith.cmpi ne, %convert_element_type3A_16, %cond3A_17 : i32
    scf.if %cond3A_18 {
      tpu.wait_dma2 semaphore(%arg14 : memref<!tpu.dma_semaphore, #tpu.memory_space<semaphore_mem>>) src(%arg3 : memref<119x128xf32, #tpu.memory_space<hbm>>) dst(%arg6 : memref<119x128xf32, #tpu.memory_space<vmem_shared>>)
    } else {
    }
    %barrier3A = arith.constant 0 : index
    tpu.barrier barrier_id(%barrier3A)
    %dma_start3A = arith.constant 0 : i32
    %dma_start3A_19 = arith.constant 0 : i32
    %dma_start3A_20 = tpu.memref_slice %arg7[%dma_start3A, %dma_start3A_19] : memref<112x128xf32, #tpu.memory_space<vmem>> -> memref<112x128xf32, #tpu.memory_space<vmem>>
    %dma_start3A_21 = arith.constant 0 : i32
    %dma_start3A_22 = tpu.memref_slice %arg5[%dma_start3A_21] : memref<3136xi32, #tpu.memory_space<vmem>> -> memref<112xi32, #tpu.memory_space<vmem>>
    %dma_start3A_23 = arith.constant 0 : i32
    %dma_start3A_24 = arith.constant 0 : i32
    %dma_start3A_25 = tpu.memref_slice %arg6[%dma_start3A_23, %dma_start3A_24] : memref<119x128xf32, #tpu.memory_space<vmem_shared>> -> memref<119x128xf32, #tpu.memory_space<vmem_shared>>
    tpu.enqueue_indirect_dma source(%dma_start3A_25 : memref<119x128xf32, #tpu.memory_space<vmem_shared>>) target(%dma_start3A_20 : memref<112x128xf32, #tpu.memory_space<vmem>>) offsets(%dma_start3A_22 : memref<112xi32, #tpu.memory_space<vmem>>) semaphore(%arg14 : memref<!tpu.dma_semaphore, #tpu.memory_space<semaphore_mem>>)
    %dma_start3A_26 = arith.constant 0 : i32
    %dma_start3A_27 = arith.constant 0 : i32
    %dma_start3A_28 = tpu.memref_slice %arg8[%dma_start3A_26, %dma_start3A_27] : memref<112x128xf32, #tpu.memory_space<vmem>> -> memref<112x128xf32, #tpu.memory_space<vmem>>
    %dma_start3A_29 = arith.constant 112 : i32
    %dma_start3A_30 = tpu.memref_slice %arg5[%dma_start3A_29] : memref<3136xi32, #tpu.memory_space<vmem>> -> memref<112xi32, #tpu.memory_space<vmem>>
    %dma_start3A_31 = arith.constant 0 : i32
    %dma_start3A_32 = arith.constant 0 : i32
    %dma_start3A_33 = tpu.memref_slice %arg6[%dma_start3A_31, %dma_start3A_32] : memref<119x128xf32, #tpu.memory_space<vmem_shared>> -> memref<119x128xf32, #tpu.memory_space<vmem_shared>>
    tpu.enqueue_indirect_dma source(%dma_start3A_33 : memref<119x128xf32, #tpu.memory_space<vmem_shared>>) target(%dma_start3A_28 : memref<112x128xf32, #tpu.memory_space<vmem>>) offsets(%dma_start3A_30 : memref<112xi32, #tpu.memory_space<vmem>>) semaphore(%arg15 : memref<!tpu.dma_semaphore, #tpu.memory_space<semaphore_mem>>)
    %dma_start3A_34 = arith.constant 0 : i32
    %dma_start3A_35 = arith.constant 0 : i32
    %dma_start3A_36 = tpu.memref_slice %arg9[%dma_start3A_34, %dma_start3A_35] : memref<112x128xf32, #tpu.memory_space<vmem>> -> memref<112x128xf32, #tpu.memory_space<vmem>>
    %dma_start3A_37 = arith.constant 224 : i32
    %dma_start3A_38 = tpu.memref_slice %arg5[%dma_start3A_37] : memref<3136xi32, #tpu.memory_space<vmem>> -> memref<112xi32, #tpu.memory_space<vmem>>
    %dma_start3A_39 = arith.constant 0 : i32
    %dma_start3A_40 = arith.constant 0 : i32
    %dma_start3A_41 = tpu.memref_slice %arg6[%dma_start3A_39, %dma_start3A_40] : memref<119x128xf32, #tpu.memory_space<vmem_shared>> -> memref<119x128xf32, #tpu.memory_space<vmem_shared>>
    tpu.enqueue_indirect_dma source(%dma_start3A_41 : memref<119x128xf32, #tpu.memory_space<vmem_shared>>) target(%dma_start3A_36 : memref<112x128xf32, #tpu.memory_space<vmem>>) offsets(%dma_start3A_38 : memref<112xi32, #tpu.memory_space<vmem>>) semaphore(%arg16 : memref<!tpu.dma_semaphore, #tpu.memory_space<semaphore_mem>>)
    %dma_start3A_42 = arith.constant 0 : i32
    %dma_start3A_43 = arith.constant 0 : i32
    %dma_start3A_44 = tpu.memref_slice %arg10[%dma_start3A_42, %dma_start3A_43] : memref<112x128xf32, #tpu.memory_space<vmem>> -> memref<112x128xf32, #tpu.memory_space<vmem>>
    %dma_start3A_45 = arith.constant 336 : i32
    %dma_start3A_46 = tpu.memref_slice %arg5[%dma_start3A_45] : memref<3136xi32, #tpu.memory_space<vmem>> -> memref<112xi32, #tpu.memory_space<vmem>>
    %dma_start3A_47 = arith.constant 0 : i32
    %dma_start3A_48 = arith.constant 0 : i32
    %dma_start3A_49 = tpu.memref_slice %arg6[%dma_start3A_47, %dma_start3A_48] : memref<119x128xf32, #tpu.memory_space<vmem_shared>> -> memref<119x128xf32, #tpu.memory_space<vmem_shared>>
    tpu.enqueue_indirect_dma source(%dma_start3A_49 : memref<119x128xf32, #tpu.memory_space<vmem_shared>>) target(%dma_start3A_44 : memref<112x128xf32, #tpu.memory_space<vmem>>) offsets(%dma_start3A_46 : memref<112xi32, #tpu.memory_space<vmem>>) semaphore(%arg17 : memref<!tpu.dma_semaphore, #tpu.memory_space<semaphore_mem>>)
    %dma_start3A_50 = arith.constant 0 : i32
    %dma_start3A_51 = arith.constant 0 : i32
    %dma_start3A_52 = tpu.memref_slice %arg11[%dma_start3A_50, %dma_start3A_51] : memref<112x128xf32, #tpu.memory_space<vmem>> -> memref<112x128xf32, #tpu.memory_space<vmem>>
    %dma_start3A_53 = arith.constant 448 : i32
    %dma_start3A_54 = tpu.memref_slice %arg5[%dma_start3A_53] : memref<3136xi32, #tpu.memory_space<vmem>> -> memref<112xi32, #tpu.memory_space<vmem>>
    %dma_start3A_55 = arith.constant 0 : i32
    %dma_start3A_56 = arith.constant 0 : i32
    %dma_start3A_57 = tpu.memref_slice %arg6[%dma_start3A_55, %dma_start3A_56] : memref<119x128xf32, #tpu.memory_space<vmem_shared>> -> memref<119x128xf32, #tpu.memory_space<vmem_shared>>
    tpu.enqueue_indirect_dma source(%dma_start3A_57 : memref<119x128xf32, #tpu.memory_space<vmem_shared>>) target(%dma_start3A_52 : memref<112x128xf32, #tpu.memory_space<vmem>>) offsets(%dma_start3A_54 : memref<112xi32, #tpu.memory_space<vmem>>) semaphore(%arg18 : memref<!tpu.dma_semaphore, #tpu.memory_space<semaphore_mem>>)
    %dma_start3A_58 = arith.constant 0 : i32
    %dma_start3A_59 = arith.constant 0 : i32
    %dma_start3A_60 = tpu.memref_slice %arg12[%dma_start3A_58, %dma_start3A_59] : memref<112x128xf32, #tpu.memory_space<vmem>> -> memref<112x128xf32, #tpu.memory_space<vmem>>
    %dma_start3A_61 = arith.constant 560 : i32
    %dma_start3A_62 = tpu.memref_slice %arg5[%dma_start3A_61] : memref<3136xi32, #tpu.memory_space<vmem>> -> memref<112xi32, #tpu.memory_space<vmem>>
    %dma_start3A_63 = arith.constant 0 : i32
    %dma_start3A_64 = arith.constant 0 : i32
    %dma_start3A_65 = tpu.memref_slice %arg6[%dma_start3A_63, %dma_start3A_64] : memref<119x128xf32, #tpu.memory_space<vmem_shared>> -> memref<119x128xf32, #tpu.memory_space<vmem_shared>>
    tpu.enqueue_indirect_dma source(%dma_start3A_65 : memref<119x128xf32, #tpu.memory_space<vmem_shared>>) target(%dma_start3A_60 : memref<112x128xf32, #tpu.memory_space<vmem>>) offsets(%dma_start3A_62 : memref<112xi32, #tpu.memory_space<vmem>>) semaphore(%arg19 : memref<!tpu.dma_semaphore, #tpu.memory_space<semaphore_mem>>)
    %dma_start3A_66 = arith.constant 0 : i32
    %dma_start3A_67 = arith.constant 0 : i32
    %dma_start3A_68 = tpu.memref_slice %arg13[%dma_start3A_66, %dma_start3A_67] : memref<112x128xf32, #tpu.memory_space<vmem>> -> memref<112x128xf32, #tpu.memory_space<vmem>>
    %dma_start3A_69 = arith.constant 672 : i32
    %dma_start3A_70 = tpu.memref_slice %arg5[%dma_start3A_69] : memref<3136xi32, #tpu.memory_space<vmem>> -> memref<112xi32, #tpu.memory_space<vmem>>
    %dma_start3A_71 = arith.constant 0 : i32
    %dma_start3A_72 = arith.constant 0 : i32
    %dma_start3A_73 = tpu.memref_slice %arg6[%dma_start3A_71, %dma_start3A_72] : memref<119x128xf32, #tpu.memory_space<vmem_shared>> -> memref<119x128xf32, #tpu.memory_space<vmem_shared>>
    tpu.enqueue_indirect_dma source(%dma_start3A_73 : memref<119x128xf32, #tpu.memory_space<vmem_shared>>) target(%dma_start3A_68 : memref<112x128xf32, #tpu.memory_space<vmem>>) offsets(%dma_start3A_70 : memref<112xi32, #tpu.memory_space<vmem>>) semaphore(%arg20 : memref<!tpu.dma_semaphore, #tpu.memory_space<semaphore_mem>>)
    %scan3A = arith.constant 0 : i32
    %scan3A_74 = arith.constant 0 : i32
    %scan3A_75 = arith.constant 3 : i32
    %scan3A_76 = arith.addi %scan3A_74, %scan3A_75 : i32
    %scan3A_77 = arith.constant 1 : i32
    scf.for %scan3A_341 = %scan3A_74 to %scan3A_76 step %scan3A_77  : i32 {
      %mul3A_342 = arith.constant 7 : i32
      %mul3A_343 = arith.muli %scan3A_341, %mul3A_342 : i32
      %dma_wait3A = arith.constant 0 : i32
      %dma_wait3A_344 = arith.constant 0 : i32
      %dma_wait3A_345 = tpu.memref_slice %arg7[%dma_wait3A, %dma_wait3A_344] : memref<112x128xf32, #tpu.memory_space<vmem>> -> memref<112x128xf32, #tpu.memory_space<vmem>>
      %dma_wait3A_346 = arith.constant 0 : i32
      %dma_wait3A_347 = tpu.memref_slice %arg5[%dma_wait3A_346] : memref<3136xi32, #tpu.memory_space<vmem>> -> memref<112xi32, #tpu.memory_space<vmem>>
      %dma_wait3A_348 = arith.constant 0 : i32
      %dma_wait3A_349 = arith.constant 0 : i32
      %dma_wait3A_350 = tpu.memref_slice %arg6[%dma_wait3A_348, %dma_wait3A_349] : memref<119x128xf32, #tpu.memory_space<vmem_shared>> -> memref<119x128xf32, #tpu.memory_space<vmem_shared>>
      tpu.wait_indirect_dma semaphore(%arg14 : memref<!tpu.dma_semaphore, #tpu.memory_space<semaphore_mem>>) src(%dma_wait3A_350 : memref<119x128xf32, #tpu.memory_space<vmem_shared>>) dst(%dma_wait3A_345 : memref<112x128xf32, #tpu.memory_space<vmem>>)
      %add3A_351 = arith.constant 0 : i32
      %add3A_352 = arith.addi %mul3A_343, %add3A_351 : i32
      %mul3A_353 = arith.constant 112 : i32
      %mul3A_354 = arith.muli %add3A_352, %mul3A_353 : i32
      %add3A_355 = arith.addi %mul3A_2, %mul3A_354 : i32
      %dma_start3A_356 = arith.constant 0 : i32
      %dma_start3A_357 = arith.constant 0 : i32
      %dma_start3A_358 = tpu.memref_slice %arg7[%dma_start3A_356, %dma_start3A_357] : memref<112x128xf32, #tpu.memory_space<vmem>> -> memref<112x128xf32, #tpu.memory_space<vmem>>
      %dma_start3A_359 = arith.constant 0 : i32
      %dma_start3A_360 = tpu.memref_slice %arg4[%add3A_355, %dma_start3A_359] : memref<100000x128xf32, #tpu.memory_space<hbm>> -> memref<112x128xf32, #tpu.memory_space<hbm>>
      %dma_start3A_361 = arith.constant 0 : i32
      %dma_start3A_362 = tpu.memref_slice %arg4[%add3A_355, %dma_start3A_361] : memref<100000x128xf32, #tpu.memory_space<hbm>> -> memref<112x128xf32, #tpu.memory_space<hbm>>
      %dma_start3A_363 = arith.constant 0 : i32
      %dma_start3A_364 = arith.constant 0 : i32
      %dma_start3A_365 = tpu.memref_slice %arg7[%dma_start3A_363, %dma_start3A_364] : memref<112x128xf32, #tpu.memory_space<vmem>> -> memref<112x128xf32, #tpu.memory_space<vmem>>
      tpu.enqueue_dma source(%dma_start3A_365 : memref<112x128xf32, #tpu.memory_space<vmem>>) target(%dma_start3A_362 : memref<112x128xf32, #tpu.memory_space<hbm>>) target_semaphore(%arg21 : memref<!tpu.dma_semaphore, #tpu.memory_space<semaphore_mem>>)
      %dma_wait3A_366 = arith.constant 0 : i32
      %dma_wait3A_367 = arith.constant 0 : i32
      %dma_wait3A_368 = tpu.memref_slice %arg8[%dma_wait3A_366, %dma_wait3A_367] : memref<112x128xf32, #tpu.memory_space<vmem>> -> memref<112x128xf32, #tpu.memory_space<vmem>>
      %dma_wait3A_369 = arith.constant 0 : i32
      %dma_wait3A_370 = tpu.memref_slice %arg5[%dma_wait3A_369] : memref<3136xi32, #tpu.memory_space<vmem>> -> memref<112xi32, #tpu.memory_space<vmem>>
      %dma_wait3A_371 = arith.constant 0 : i32
      %dma_wait3A_372 = arith.constant 0 : i32
      %dma_wait3A_373 = tpu.memref_slice %arg6[%dma_wait3A_371, %dma_wait3A_372] : memref<119x128xf32, #tpu.memory_space<vmem_shared>> -> memref<119x128xf32, #tpu.memory_space<vmem_shared>>
      tpu.wait_indirect_dma semaphore(%arg15 : memref<!tpu.dma_semaphore, #tpu.memory_space<semaphore_mem>>) src(%dma_wait3A_373 : memref<119x128xf32, #tpu.memory_space<vmem_shared>>) dst(%dma_wait3A_368 : memref<112x128xf32, #tpu.memory_space<vmem>>)
      %add3A_374 = arith.constant 1 : i32
      %add3A_375 = arith.addi %mul3A_343, %add3A_374 : i32
      %mul3A_376 = arith.constant 112 : i32
      %mul3A_377 = arith.muli %add3A_375, %mul3A_376 : i32
      %add3A_378 = arith.addi %mul3A_2, %mul3A_377 : i32
      %dma_start3A_379 = arith.constant 0 : i32
      %dma_start3A_380 = arith.constant 0 : i32
      %dma_start3A_381 = tpu.memref_slice %arg8[%dma_start3A_379, %dma_start3A_380] : memref<112x128xf32, #tpu.memory_space<vmem>> -> memref<112x128xf32, #tpu.memory_space<vmem>>
      %dma_start3A_382 = arith.constant 0 : i32
      %dma_start3A_383 = tpu.memref_slice %arg4[%add3A_378, %dma_start3A_382] : memref<100000x128xf32, #tpu.memory_space<hbm>> -> memref<112x128xf32, #tpu.memory_space<hbm>>
      %dma_start3A_384 = arith.constant 0 : i32
      %dma_start3A_385 = tpu.memref_slice %arg4[%add3A_378, %dma_start3A_384] : memref<100000x128xf32, #tpu.memory_space<hbm>> -> memref<112x128xf32, #tpu.memory_space<hbm>>
      %dma_start3A_386 = arith.constant 0 : i32
      %dma_start3A_387 = arith.constant 0 : i32
      %dma_start3A_388 = tpu.memref_slice %arg8[%dma_start3A_386, %dma_start3A_387] : memref<112x128xf32, #tpu.memory_space<vmem>> -> memref<112x128xf32, #tpu.memory_space<vmem>>
      tpu.enqueue_dma source(%dma_start3A_388 : memref<112x128xf32, #tpu.memory_space<vmem>>) target(%dma_start3A_385 : memref<112x128xf32, #tpu.memory_space<hbm>>) target_semaphore(%arg22 : memref<!tpu.dma_semaphore, #tpu.memory_space<semaphore_mem>>)
      %dma_wait3A_389 = arith.constant 0 : i32
      %dma_wait3A_390 = arith.constant 0 : i32
      %dma_wait3A_391 = tpu.memref_slice %arg9[%dma_wait3A_389, %dma_wait3A_390] : memref<112x128xf32, #tpu.memory_space<vmem>> -> memref<112x128xf32, #tpu.memory_space<vmem>>
      %dma_wait3A_392 = arith.constant 0 : i32
      %dma_wait3A_393 = tpu.memref_slice %arg5[%dma_wait3A_392] : memref<3136xi32, #tpu.memory_space<vmem>> -> memref<112xi32, #tpu.memory_space<vmem>>
      %dma_wait3A_394 = arith.constant 0 : i32
      %dma_wait3A_395 = arith.constant 0 : i32
      %dma_wait3A_396 = tpu.memref_slice %arg6[%dma_wait3A_394, %dma_wait3A_395] : memref<119x128xf32, #tpu.memory_space<vmem_shared>> -> memref<119x128xf32, #tpu.memory_space<vmem_shared>>
      tpu.wait_indirect_dma semaphore(%arg16 : memref<!tpu.dma_semaphore, #tpu.memory_space<semaphore_mem>>) src(%dma_wait3A_396 : memref<119x128xf32, #tpu.memory_space<vmem_shared>>) dst(%dma_wait3A_391 : memref<112x128xf32, #tpu.memory_space<vmem>>)
      %add3A_397 = arith.constant 2 : i32
      %add3A_398 = arith.addi %mul3A_343, %add3A_397 : i32
      %mul3A_399 = arith.constant 112 : i32
      %mul3A_400 = arith.muli %add3A_398, %mul3A_399 : i32
      %add3A_401 = arith.addi %mul3A_2, %mul3A_400 : i32
      %dma_start3A_402 = arith.constant 0 : i32
      %dma_start3A_403 = arith.constant 0 : i32
      %dma_start3A_404 = tpu.memref_slice %arg9[%dma_start3A_402, %dma_start3A_403] : memref<112x128xf32, #tpu.memory_space<vmem>> -> memref<112x128xf32, #tpu.memory_space<vmem>>
      %dma_start3A_405 = arith.constant 0 : i32
      %dma_start3A_406 = tpu.memref_slice %arg4[%add3A_401, %dma_start3A_405] : memref<100000x128xf32, #tpu.memory_space<hbm>> -> memref<112x128xf32, #tpu.memory_space<hbm>>
      %dma_start3A_407 = arith.constant 0 : i32
      %dma_start3A_408 = tpu.memref_slice %arg4[%add3A_401, %dma_start3A_407] : memref<100000x128xf32, #tpu.memory_space<hbm>> -> memref<112x128xf32, #tpu.memory_space<hbm>>
      %dma_start3A_409 = arith.constant 0 : i32
      %dma_start3A_410 = arith.constant 0 : i32
      %dma_start3A_411 = tpu.memref_slice %arg9[%dma_start3A_409, %dma_start3A_410] : memref<112x128xf32, #tpu.memory_space<vmem>> -> memref<112x128xf32, #tpu.memory_space<vmem>>
      tpu.enqueue_dma source(%dma_start3A_411 : memref<112x128xf32, #tpu.memory_space<vmem>>) target(%dma_start3A_408 : memref<112x128xf32, #tpu.memory_space<hbm>>) target_semaphore(%arg23 : memref<!tpu.dma_semaphore, #tpu.memory_space<semaphore_mem>>)
      %dma_wait3A_412 = arith.constant 0 : i32
      %dma_wait3A_413 = arith.constant 0 : i32
      %dma_wait3A_414 = tpu.memref_slice %arg10[%dma_wait3A_412, %dma_wait3A_413] : memref<112x128xf32, #tpu.memory_space<vmem>> -> memref<112x128xf32, #tpu.memory_space<vmem>>
      %dma_wait3A_415 = arith.constant 0 : i32
      %dma_wait3A_416 = tpu.memref_slice %arg5[%dma_wait3A_415] : memref<3136xi32, #tpu.memory_space<vmem>> -> memref<112xi32, #tpu.memory_space<vmem>>
      %dma_wait3A_417 = arith.constant 0 : i32
      %dma_wait3A_418 = arith.constant 0 : i32
      %dma_wait3A_419 = tpu.memref_slice %arg6[%dma_wait3A_417, %dma_wait3A_418] : memref<119x128xf32, #tpu.memory_space<vmem_shared>> -> memref<119x128xf32, #tpu.memory_space<vmem_shared>>
      tpu.wait_indirect_dma semaphore(%arg17 : memref<!tpu.dma_semaphore, #tpu.memory_space<semaphore_mem>>) src(%dma_wait3A_419 : memref<119x128xf32, #tpu.memory_space<vmem_shared>>) dst(%dma_wait3A_414 : memref<112x128xf32, #tpu.memory_space<vmem>>)
      %add3A_420 = arith.constant 3 : i32
      %add3A_421 = arith.addi %mul3A_343, %add3A_420 : i32
      %mul3A_422 = arith.constant 112 : i32
      %mul3A_423 = arith.muli %add3A_421, %mul3A_422 : i32
      %add3A_424 = arith.addi %mul3A_2, %mul3A_423 : i32
      %dma_start3A_425 = arith.constant 0 : i32
      %dma_start3A_426 = arith.constant 0 : i32
      %dma_start3A_427 = tpu.memref_slice %arg10[%dma_start3A_425, %dma_start3A_426] : memref<112x128xf32, #tpu.memory_space<vmem>> -> memref<112x128xf32, #tpu.memory_space<vmem>>
      %dma_start3A_428 = arith.constant 0 : i32
      %dma_start3A_429 = tpu.memref_slice %arg4[%add3A_424, %dma_start3A_428] : memref<100000x128xf32, #tpu.memory_space<hbm>> -> memref<112x128xf32, #tpu.memory_space<hbm>>
      %dma_start3A_430 = arith.constant 0 : i32
      %dma_start3A_431 = tpu.memref_slice %arg4[%add3A_424, %dma_start3A_430] : memref<100000x128xf32, #tpu.memory_space<hbm>> -> memref<112x128xf32, #tpu.memory_space<hbm>>
      %dma_start3A_432 = arith.constant 0 : i32
      %dma_start3A_433 = arith.constant 0 : i32
      %dma_start3A_434 = tpu.memref_slice %arg10[%dma_start3A_432, %dma_start3A_433] : memref<112x128xf32, #tpu.memory_space<vmem>> -> memref<112x128xf32, #tpu.memory_space<vmem>>
      tpu.enqueue_dma source(%dma_start3A_434 : memref<112x128xf32, #tpu.memory_space<vmem>>) target(%dma_start3A_431 : memref<112x128xf32, #tpu.memory_space<hbm>>) target_semaphore(%arg24 : memref<!tpu.dma_semaphore, #tpu.memory_space<semaphore_mem>>)
      %dma_wait3A_435 = arith.constant 0 : i32
      %dma_wait3A_436 = arith.constant 0 : i32
      %dma_wait3A_437 = tpu.memref_slice %arg11[%dma_wait3A_435, %dma_wait3A_436] : memref<112x128xf32, #tpu.memory_space<vmem>> -> memref<112x128xf32, #tpu.memory_space<vmem>>
      %dma_wait3A_438 = arith.constant 0 : i32
      %dma_wait3A_439 = tpu.memref_slice %arg5[%dma_wait3A_438] : memref<3136xi32, #tpu.memory_space<vmem>> -> memref<112xi32, #tpu.memory_space<vmem>>
      %dma_wait3A_440 = arith.constant 0 : i32
      %dma_wait3A_441 = arith.constant 0 : i32
      %dma_wait3A_442 = tpu.memref_slice %arg6[%dma_wait3A_440, %dma_wait3A_441] : memref<119x128xf32, #tpu.memory_space<vmem_shared>> -> memref<119x128xf32, #tpu.memory_space<vmem_shared>>
      tpu.wait_indirect_dma semaphore(%arg18 : memref<!tpu.dma_semaphore, #tpu.memory_space<semaphore_mem>>) src(%dma_wait3A_442 : memref<119x128xf32, #tpu.memory_space<vmem_shared>>) dst(%dma_wait3A_437 : memref<112x128xf32, #tpu.memory_space<vmem>>)
      %add3A_443 = arith.constant 4 : i32
      %add3A_444 = arith.addi %mul3A_343, %add3A_443 : i32
      %mul3A_445 = arith.constant 112 : i32
      %mul3A_446 = arith.muli %add3A_444, %mul3A_445 : i32
      %add3A_447 = arith.addi %mul3A_2, %mul3A_446 : i32
      %dma_start3A_448 = arith.constant 0 : i32
      %dma_start3A_449 = arith.constant 0 : i32
      %dma_start3A_450 = tpu.memref_slice %arg11[%dma_start3A_448, %dma_start3A_449] : memref<112x128xf32, #tpu.memory_space<vmem>> -> memref<112x128xf32, #tpu.memory_space<vmem>>
      %dma_start3A_451 = arith.constant 0 : i32
      %dma_start3A_452 = tpu.memref_slice %arg4[%add3A_447, %dma_start3A_451] : memref<100000x128xf32, #tpu.memory_space<hbm>> -> memref<112x128xf32, #tpu.memory_space<hbm>>
      %dma_start3A_453 = arith.constant 0 : i32
      %dma_start3A_454 = tpu.memref_slice %arg4[%add3A_447, %dma_start3A_453] : memref<100000x128xf32, #tpu.memory_space<hbm>> -> memref<112x128xf32, #tpu.memory_space<hbm>>
      %dma_start3A_455 = arith.constant 0 : i32
      %dma_start3A_456 = arith.constant 0 : i32
      %dma_start3A_457 = tpu.memref_slice %arg11[%dma_start3A_455, %dma_start3A_456] : memref<112x128xf32, #tpu.memory_space<vmem>> -> memref<112x128xf32, #tpu.memory_space<vmem>>
      tpu.enqueue_dma source(%dma_start3A_457 : memref<112x128xf32, #tpu.memory_space<vmem>>) target(%dma_start3A_454 : memref<112x128xf32, #tpu.memory_space<hbm>>) target_semaphore(%arg25 : memref<!tpu.dma_semaphore, #tpu.memory_space<semaphore_mem>>)
      %dma_wait3A_458 = arith.constant 0 : i32
      %dma_wait3A_459 = arith.constant 0 : i32
      %dma_wait3A_460 = tpu.memref_slice %arg12[%dma_wait3A_458, %dma_wait3A_459] : memref<112x128xf32, #tpu.memory_space<vmem>> -> memref<112x128xf32, #tpu.memory_space<vmem>>
      %dma_wait3A_461 = arith.constant 0 : i32
      %dma_wait3A_462 = tpu.memref_slice %arg5[%dma_wait3A_461] : memref<3136xi32, #tpu.memory_space<vmem>> -> memref<112xi32, #tpu.memory_space<vmem>>
      %dma_wait3A_463 = arith.constant 0 : i32
      %dma_wait3A_464 = arith.constant 0 : i32
      %dma_wait3A_465 = tpu.memref_slice %arg6[%dma_wait3A_463, %dma_wait3A_464] : memref<119x128xf32, #tpu.memory_space<vmem_shared>> -> memref<119x128xf32, #tpu.memory_space<vmem_shared>>
      tpu.wait_indirect_dma semaphore(%arg19 : memref<!tpu.dma_semaphore, #tpu.memory_space<semaphore_mem>>) src(%dma_wait3A_465 : memref<119x128xf32, #tpu.memory_space<vmem_shared>>) dst(%dma_wait3A_460 : memref<112x128xf32, #tpu.memory_space<vmem>>)
      %add3A_466 = arith.constant 5 : i32
      %add3A_467 = arith.addi %mul3A_343, %add3A_466 : i32
      %mul3A_468 = arith.constant 112 : i32
      %mul3A_469 = arith.muli %add3A_467, %mul3A_468 : i32
      %add3A_470 = arith.addi %mul3A_2, %mul3A_469 : i32
      %dma_start3A_471 = arith.constant 0 : i32
      %dma_start3A_472 = arith.constant 0 : i32
      %dma_start3A_473 = tpu.memref_slice %arg12[%dma_start3A_471, %dma_start3A_472] : memref<112x128xf32, #tpu.memory_space<vmem>> -> memref<112x128xf32, #tpu.memory_space<vmem>>
      %dma_start3A_474 = arith.constant 0 : i32
      %dma_start3A_475 = tpu.memref_slice %arg4[%add3A_470, %dma_start3A_474] : memref<100000x128xf32, #tpu.memory_space<hbm>> -> memref<112x128xf32, #tpu.memory_space<hbm>>
      %dma_start3A_476 = arith.constant 0 : i32
      %dma_start3A_477 = tpu.memref_slice %arg4[%add3A_470, %dma_start3A_476] : memref<100000x128xf32, #tpu.memory_space<hbm>> -> memref<112x128xf32, #tpu.memory_space<hbm>>
      %dma_start3A_478 = arith.constant 0 : i32
      %dma_start3A_479 = arith.constant 0 : i32
      %dma_start3A_480 = tpu.memref_slice %arg12[%dma_start3A_478, %dma_start3A_479] : memref<112x128xf32, #tpu.memory_space<vmem>> -> memref<112x128xf32, #tpu.memory_space<vmem>>
      tpu.enqueue_dma source(%dma_start3A_480 : memref<112x128xf32, #tpu.memory_space<vmem>>) target(%dma_start3A_477 : memref<112x128xf32, #tpu.memory_space<hbm>>) target_semaphore(%arg26 : memref<!tpu.dma_semaphore, #tpu.memory_space<semaphore_mem>>)
      %dma_wait3A_481 = arith.constant 0 : i32
      %dma_wait3A_482 = arith.constant 0 : i32
      %dma_wait3A_483 = tpu.memref_slice %arg13[%dma_wait3A_481, %dma_wait3A_482] : memref<112x128xf32, #tpu.memory_space<vmem>> -> memref<112x128xf32, #tpu.memory_space<vmem>>
      %dma_wait3A_484 = arith.constant 0 : i32
      %dma_wait3A_485 = tpu.memref_slice %arg5[%dma_wait3A_484] : memref<3136xi32, #tpu.memory_space<vmem>> -> memref<112xi32, #tpu.memory_space<vmem>>
      %dma_wait3A_486 = arith.constant 0 : i32
      %dma_wait3A_487 = arith.constant 0 : i32
      %dma_wait3A_488 = tpu.memref_slice %arg6[%dma_wait3A_486, %dma_wait3A_487] : memref<119x128xf32, #tpu.memory_space<vmem_shared>> -> memref<119x128xf32, #tpu.memory_space<vmem_shared>>
      tpu.wait_indirect_dma semaphore(%arg20 : memref<!tpu.dma_semaphore, #tpu.memory_space<semaphore_mem>>) src(%dma_wait3A_488 : memref<119x128xf32, #tpu.memory_space<vmem_shared>>) dst(%dma_wait3A_483 : memref<112x128xf32, #tpu.memory_space<vmem>>)
      %add3A_489 = arith.constant 6 : i32
      %add3A_490 = arith.addi %mul3A_343, %add3A_489 : i32
      %mul3A_491 = arith.constant 112 : i32
      %mul3A_492 = arith.muli %add3A_490, %mul3A_491 : i32
      %add3A_493 = arith.addi %mul3A_2, %mul3A_492 : i32
      %dma_start3A_494 = arith.constant 0 : i32
      %dma_start3A_495 = arith.constant 0 : i32
      %dma_start3A_496 = tpu.memref_slice %arg13[%dma_start3A_494, %dma_start3A_495] : memref<112x128xf32, #tpu.memory_space<vmem>> -> memref<112x128xf32, #tpu.memory_space<vmem>>
      %dma_start3A_497 = arith.constant 0 : i32
      %dma_start3A_498 = tpu.memref_slice %arg4[%add3A_493, %dma_start3A_497] : memref<100000x128xf32, #tpu.memory_space<hbm>> -> memref<112x128xf32, #tpu.memory_space<hbm>>
      %dma_start3A_499 = arith.constant 0 : i32
      %dma_start3A_500 = tpu.memref_slice %arg4[%add3A_493, %dma_start3A_499] : memref<100000x128xf32, #tpu.memory_space<hbm>> -> memref<112x128xf32, #tpu.memory_space<hbm>>
      %dma_start3A_501 = arith.constant 0 : i32
      %dma_start3A_502 = arith.constant 0 : i32
      %dma_start3A_503 = tpu.memref_slice %arg13[%dma_start3A_501, %dma_start3A_502] : memref<112x128xf32, #tpu.memory_space<vmem>> -> memref<112x128xf32, #tpu.memory_space<vmem>>
      tpu.enqueue_dma source(%dma_start3A_503 : memref<112x128xf32, #tpu.memory_space<vmem>>) target(%dma_start3A_500 : memref<112x128xf32, #tpu.memory_space<hbm>>) target_semaphore(%arg27 : memref<!tpu.dma_semaphore, #tpu.memory_space<semaphore_mem>>)
      %dma_wait3A_504 = arith.constant 0 : i32
      %dma_wait3A_505 = arith.constant 0 : i32
      %dma_wait3A_506 = tpu.memref_slice %arg7[%dma_wait3A_504, %dma_wait3A_505] : memref<112x128xf32, #tpu.memory_space<vmem>> -> memref<112x128xf32, #tpu.memory_space<vmem>>
      %dma_wait3A_507 = arith.constant 0 : i32
      %dma_wait3A_508 = arith.constant 0 : i32
      %dma_wait3A_509 = tpu.memref_slice %arg4[%dma_wait3A_507, %dma_wait3A_508] : memref<100000x128xf32, #tpu.memory_space<hbm>> -> memref<112x128xf32, #tpu.memory_space<hbm>>
      %dma_wait3A_510 = arith.constant 0 : i32
      %dma_wait3A_511 = arith.constant 0 : i32
      %dma_wait3A_512 = tpu.memref_slice %arg4[%dma_wait3A_510, %dma_wait3A_511] : memref<100000x128xf32, #tpu.memory_space<hbm>> -> memref<112x128xf32, #tpu.memory_space<hbm>>
      %dma_wait3A_513 = arith.constant 0 : i32
      %dma_wait3A_514 = arith.constant 0 : i32
      %dma_wait3A_515 = tpu.memref_slice %arg7[%dma_wait3A_513, %dma_wait3A_514] : memref<112x128xf32, #tpu.memory_space<vmem>> -> memref<112x128xf32, #tpu.memory_space<vmem>>
      tpu.wait_dma2 semaphore(%arg21 : memref<!tpu.dma_semaphore, #tpu.memory_space<semaphore_mem>>) src(%dma_wait3A_515 : memref<112x128xf32, #tpu.memory_space<vmem>>) dst(%dma_wait3A_512 : memref<112x128xf32, #tpu.memory_space<hbm>>)
      %add3A_516 = arith.constant 7 : i32
      %add3A_517 = arith.addi %mul3A_343, %add3A_516 : i32
      %add3A_518 = arith.constant 0 : i32
      %add3A_519 = arith.addi %add3A_517, %add3A_518 : i32
      %mul3A_520 = arith.constant 112 : i32
      %mul3A_521 = arith.muli %add3A_519, %mul3A_520 : i32
      %add3A_522 = arith.addi %mul3A_2, %mul3A_521 : i32
      %add3A_523 = arith.constant 112 : i32
      %add3A_524 = arith.addi %add3A_522, %add3A_523 : i32
      %le3A_525 = arith.constant 100000 : i32
      %le3A_526 = arith.cmpi sle, %add3A_524, %le3A_525 : i32
      %convert_element_type3A_527 = arith.extui %le3A_526 : i1 to i32
      %cond3A_528 = arith.constant 0 : i32
      %cond3A_529 = arith.cmpi ne, %convert_element_type3A_527, %cond3A_528 : i32
      scf.if %cond3A_529 {
        %mul3A_756 = arith.constant 112 : i32
        %mul3A_757 = arith.muli %add3A_519, %mul3A_756 : i32
        %dma_start3A_758 = arith.constant 0 : i32
        %dma_start3A_759 = arith.constant 0 : i32
        %dma_start3A_760 = tpu.memref_slice %arg7[%dma_start3A_758, %dma_start3A_759] : memref<112x128xf32, #tpu.memory_space<vmem>> -> memref<112x128xf32, #tpu.memory_space<vmem>>
        %dma_start3A_761 = tpu.memref_slice %arg5[%mul3A_757] : memref<3136xi32, #tpu.memory_space<vmem>> -> memref<112xi32, #tpu.memory_space<vmem>>
        %dma_start3A_762 = arith.constant 0 : i32
        %dma_start3A_763 = arith.constant 0 : i32
        %dma_start3A_764 = tpu.memref_slice %arg6[%dma_start3A_762, %dma_start3A_763] : memref<119x128xf32, #tpu.memory_space<vmem_shared>> -> memref<119x128xf32, #tpu.memory_space<vmem_shared>>
        tpu.enqueue_indirect_dma source(%dma_start3A_764 : memref<119x128xf32, #tpu.memory_space<vmem_shared>>) target(%dma_start3A_760 : memref<112x128xf32, #tpu.memory_space<vmem>>) offsets(%dma_start3A_761 : memref<112xi32, #tpu.memory_space<vmem>>) semaphore(%arg14 : memref<!tpu.dma_semaphore, #tpu.memory_space<semaphore_mem>>)
      } else {
      }
      %lt3A_530 = arith.constant 100000 : i32
      %lt3A_531 = arith.cmpi slt, %add3A_522, %lt3A_530 : i32
      %add3A_532 = arith.constant 112 : i32
      %add3A_533 = arith.addi %add3A_522, %add3A_532 : i32
      %gt3A_534 = arith.constant 100000 : i32
      %gt3A_535 = arith.cmpi sgt, %add3A_533, %gt3A_534 : i32
      %and3A_536 = arith.andi %lt3A_531, %gt3A_535 : i1
      %convert_element_type3A_537 = arith.extui %and3A_536 : i1 to i32
      %cond3A_538 = arith.constant 0 : i32
      %cond3A_539 = arith.cmpi ne, %convert_element_type3A_537, %cond3A_538 : i32
      scf.if %cond3A_539 {
        %mul3A_756 = arith.constant 112 : i32
        %mul3A_757 = arith.muli %add3A_519, %mul3A_756 : i32
        %dma_start3A_758 = arith.constant 0 : i32
        %dma_start3A_759 = arith.constant 0 : i32
        %dma_start3A_760 = tpu.memref_slice %arg7[%dma_start3A_758, %dma_start3A_759] : memref<112x128xf32, #tpu.memory_space<vmem>> -> memref<96x128xf32, #tpu.memory_space<vmem>>
        %dma_start3A_761 = tpu.memref_slice %arg5[%mul3A_757] : memref<3136xi32, #tpu.memory_space<vmem>> -> memref<96xi32, #tpu.memory_space<vmem>>
        %dma_start3A_762 = arith.constant 0 : i32
        %dma_start3A_763 = arith.constant 0 : i32
        %dma_start3A_764 = tpu.memref_slice %arg6[%dma_start3A_762, %dma_start3A_763] : memref<119x128xf32, #tpu.memory_space<vmem_shared>> -> memref<119x128xf32, #tpu.memory_space<vmem_shared>>
        tpu.enqueue_indirect_dma source(%dma_start3A_764 : memref<119x128xf32, #tpu.memory_space<vmem_shared>>) target(%dma_start3A_760 : memref<96x128xf32, #tpu.memory_space<vmem>>) offsets(%dma_start3A_761 : memref<96xi32, #tpu.memory_space<vmem>>) semaphore(%arg14 : memref<!tpu.dma_semaphore, #tpu.memory_space<semaphore_mem>>)
      } else {
      }
      %dma_wait3A_540 = arith.constant 0 : i32
      %dma_wait3A_541 = arith.constant 0 : i32
      %dma_wait3A_542 = tpu.memref_slice %arg8[%dma_wait3A_540, %dma_wait3A_541] : memref<112x128xf32, #tpu.memory_space<vmem>> -> memref<112x128xf32, #tpu.memory_space<vmem>>
      %dma_wait3A_543 = arith.constant 0 : i32
      %dma_wait3A_544 = arith.constant 0 : i32
      %dma_wait3A_545 = tpu.memref_slice %arg4[%dma_wait3A_543, %dma_wait3A_544] : memref<100000x128xf32, #tpu.memory_space<hbm>> -> memref<112x128xf32, #tpu.memory_space<hbm>>
      %dma_wait3A_546 = arith.constant 0 : i32
      %dma_wait3A_547 = arith.constant 0 : i32
      %dma_wait3A_548 = tpu.memref_slice %arg4[%dma_wait3A_546, %dma_wait3A_547] : memref<100000x128xf32, #tpu.memory_space<hbm>> -> memref<112x128xf32, #tpu.memory_space<hbm>>
      %dma_wait3A_549 = arith.constant 0 : i32
      %dma_wait3A_550 = arith.constant 0 : i32
      %dma_wait3A_551 = tpu.memref_slice %arg8[%dma_wait3A_549, %dma_wait3A_550] : memref<112x128xf32, #tpu.memory_space<vmem>> -> memref<112x128xf32, #tpu.memory_space<vmem>>
      tpu.wait_dma2 semaphore(%arg22 : memref<!tpu.dma_semaphore, #tpu.memory_space<semaphore_mem>>) src(%dma_wait3A_551 : memref<112x128xf32, #tpu.memory_space<vmem>>) dst(%dma_wait3A_548 : memref<112x128xf32, #tpu.memory_space<hbm>>)
      %add3A_552 = arith.constant 7 : i32
      %add3A_553 = arith.addi %mul3A_343, %add3A_552 : i32
      %add3A_554 = arith.constant 1 : i32
      %add3A_555 = arith.addi %add3A_553, %add3A_554 : i32
      %mul3A_556 = arith.constant 112 : i32
      %mul3A_557 = arith.muli %add3A_555, %mul3A_556 : i32
      %add3A_558 = arith.addi %mul3A_2, %mul3A_557 : i32
      %add3A_559 = arith.constant 112 : i32
      %add3A_560 = arith.addi %add3A_558, %add3A_559 : i32
      %le3A_561 = arith.constant 100000 : i32
      %le3A_562 = arith.cmpi sle, %add3A_560, %le3A_561 : i32
      %convert_element_type3A_563 = arith.extui %le3A_562 : i1 to i32
      %cond3A_564 = arith.constant 0 : i32
      %cond3A_565 = arith.cmpi ne, %convert_element_type3A_563, %cond3A_564 : i32
      scf.if %cond3A_565 {
        %mul3A_756 = arith.constant 112 : i32
        %mul3A_757 = arith.muli %add3A_555, %mul3A_756 : i32
        %dma_start3A_758 = arith.constant 0 : i32
        %dma_start3A_759 = arith.constant 0 : i32
        %dma_start3A_760 = tpu.memref_slice %arg8[%dma_start3A_758, %dma_start3A_759] : memref<112x128xf32, #tpu.memory_space<vmem>> -> memref<112x128xf32, #tpu.memory_space<vmem>>
        %dma_start3A_761 = tpu.memref_slice %arg5[%mul3A_757] : memref<3136xi32, #tpu.memory_space<vmem>> -> memref<112xi32, #tpu.memory_space<vmem>>
        %dma_start3A_762 = arith.constant 0 : i32
        %dma_start3A_763 = arith.constant 0 : i32
        %dma_start3A_764 = tpu.memref_slice %arg6[%dma_start3A_762, %dma_start3A_763] : memref<119x128xf32, #tpu.memory_space<vmem_shared>> -> memref<119x128xf32, #tpu.memory_space<vmem_shared>>
        tpu.enqueue_indirect_dma source(%dma_start3A_764 : memref<119x128xf32, #tpu.memory_space<vmem_shared>>) target(%dma_start3A_760 : memref<112x128xf32, #tpu.memory_space<vmem>>) offsets(%dma_start3A_761 : memref<112xi32, #tpu.memory_space<vmem>>) semaphore(%arg15 : memref<!tpu.dma_semaphore, #tpu.memory_space<semaphore_mem>>)
      } else {
      }
      %lt3A_566 = arith.constant 100000 : i32
      %lt3A_567 = arith.cmpi slt, %add3A_558, %lt3A_566 : i32
      %add3A_568 = arith.constant 112 : i32
      %add3A_569 = arith.addi %add3A_558, %add3A_568 : i32
      %gt3A_570 = arith.constant 100000 : i32
      %gt3A_571 = arith.cmpi sgt, %add3A_569, %gt3A_570 : i32
      %and3A_572 = arith.andi %lt3A_567, %gt3A_571 : i1
      %convert_element_type3A_573 = arith.extui %and3A_572 : i1 to i32
      %cond3A_574 = arith.constant 0 : i32
      %cond3A_575 = arith.cmpi ne, %convert_element_type3A_573, %cond3A_574 : i32
      scf.if %cond3A_575 {
        %mul3A_756 = arith.constant 112 : i32
        %mul3A_757 = arith.muli %add3A_555, %mul3A_756 : i32
        %dma_start3A_758 = arith.constant 0 : i32
        %dma_start3A_759 = arith.constant 0 : i32
        %dma_start3A_760 = tpu.memref_slice %arg8[%dma_start3A_758, %dma_start3A_759] : memref<112x128xf32, #tpu.memory_space<vmem>> -> memref<96x128xf32, #tpu.memory_space<vmem>>
        %dma_start3A_761 = tpu.memref_slice %arg5[%mul3A_757] : memref<3136xi32, #tpu.memory_space<vmem>> -> memref<96xi32, #tpu.memory_space<vmem>>
        %dma_start3A_762 = arith.constant 0 : i32
        %dma_start3A_763 = arith.constant 0 : i32
        %dma_start3A_764 = tpu.memref_slice %arg6[%dma_start3A_762, %dma_start3A_763] : memref<119x128xf32, #tpu.memory_space<vmem_shared>> -> memref<119x128xf32, #tpu.memory_space<vmem_shared>>
        tpu.enqueue_indirect_dma source(%dma_start3A_764 : memref<119x128xf32, #tpu.memory_space<vmem_shared>>) target(%dma_start3A_760 : memref<96x128xf32, #tpu.memory_space<vmem>>) offsets(%dma_start3A_761 : memref<96xi32, #tpu.memory_space<vmem>>) semaphore(%arg15 : memref<!tpu.dma_semaphore, #tpu.memory_space<semaphore_mem>>)
      } else {
      }
      %dma_wait3A_576 = arith.constant 0 : i32
      %dma_wait3A_577 = arith.constant 0 : i32
      %dma_wait3A_578 = tpu.memref_slice %arg9[%dma_wait3A_576, %dma_wait3A_577] : memref<112x128xf32, #tpu.memory_space<vmem>> -> memref<112x128xf32, #tpu.memory_space<vmem>>
      %dma_wait3A_579 = arith.constant 0 : i32
      %dma_wait3A_580 = arith.constant 0 : i32
      %dma_wait3A_581 = tpu.memref_slice %arg4[%dma_wait3A_579, %dma_wait3A_580] : memref<100000x128xf32, #tpu.memory_space<hbm>> -> memref<112x128xf32, #tpu.memory_space<hbm>>
      %dma_wait3A_582 = arith.constant 0 : i32
      %dma_wait3A_583 = arith.constant 0 : i32
      %dma_wait3A_584 = tpu.memref_slice %arg4[%dma_wait3A_582, %dma_wait3A_583] : memref<100000x128xf32, #tpu.memory_space<hbm>> -> memref<112x128xf32, #tpu.memory_space<hbm>>
      %dma_wait3A_585 = arith.constant 0 : i32
      %dma_wait3A_586 = arith.constant 0 : i32
      %dma_wait3A_587 = tpu.memref_slice %arg9[%dma_wait3A_585, %dma_wait3A_586] : memref<112x128xf32, #tpu.memory_space<vmem>> -> memref<112x128xf32, #tpu.memory_space<vmem>>
      tpu.wait_dma2 semaphore(%arg23 : memref<!tpu.dma_semaphore, #tpu.memory_space<semaphore_mem>>) src(%dma_wait3A_587 : memref<112x128xf32, #tpu.memory_space<vmem>>) dst(%dma_wait3A_584 : memref<112x128xf32, #tpu.memory_space<hbm>>)
      %add3A_588 = arith.constant 7 : i32
      %add3A_589 = arith.addi %mul3A_343, %add3A_588 : i32
      %add3A_590 = arith.constant 2 : i32
      %add3A_591 = arith.addi %add3A_589, %add3A_590 : i32
      %mul3A_592 = arith.constant 112 : i32
      %mul3A_593 = arith.muli %add3A_591, %mul3A_592 : i32
      %add3A_594 = arith.addi %mul3A_2, %mul3A_593 : i32
      %add3A_595 = arith.constant 112 : i32
      %add3A_596 = arith.addi %add3A_594, %add3A_595 : i32
      %le3A_597 = arith.constant 100000 : i32
      %le3A_598 = arith.cmpi sle, %add3A_596, %le3A_597 : i32
      %convert_element_type3A_599 = arith.extui %le3A_598 : i1 to i32
      %cond3A_600 = arith.constant 0 : i32
      %cond3A_601 = arith.cmpi ne, %convert_element_type3A_599, %cond3A_600 : i32
      scf.if %cond3A_601 {
        %mul3A_756 = arith.constant 112 : i32
        %mul3A_757 = arith.muli %add3A_591, %mul3A_756 : i32
        %dma_start3A_758 = arith.constant 0 : i32
        %dma_start3A_759 = arith.constant 0 : i32
        %dma_start3A_760 = tpu.memref_slice %arg9[%dma_start3A_758, %dma_start3A_759] : memref<112x128xf32, #tpu.memory_space<vmem>> -> memref<112x128xf32, #tpu.memory_space<vmem>>
        %dma_start3A_761 = tpu.memref_slice %arg5[%mul3A_757] : memref<3136xi32, #tpu.memory_space<vmem>> -> memref<112xi32, #tpu.memory_space<vmem>>
        %dma_start3A_762 = arith.constant 0 : i32
        %dma_start3A_763 = arith.constant 0 : i32
        %dma_start3A_764 = tpu.memref_slice %arg6[%dma_start3A_762, %dma_start3A_763] : memref<119x128xf32, #tpu.memory_space<vmem_shared>> -> memref<119x128xf32, #tpu.memory_space<vmem_shared>>
        tpu.enqueue_indirect_dma source(%dma_start3A_764 : memref<119x128xf32, #tpu.memory_space<vmem_shared>>) target(%dma_start3A_760 : memref<112x128xf32, #tpu.memory_space<vmem>>) offsets(%dma_start3A_761 : memref<112xi32, #tpu.memory_space<vmem>>) semaphore(%arg16 : memref<!tpu.dma_semaphore, #tpu.memory_space<semaphore_mem>>)
      } else {
      }
      %lt3A_602 = arith.constant 100000 : i32
      %lt3A_603 = arith.cmpi slt, %add3A_594, %lt3A_602 : i32
      %add3A_604 = arith.constant 112 : i32
      %add3A_605 = arith.addi %add3A_594, %add3A_604 : i32
      %gt3A_606 = arith.constant 100000 : i32
      %gt3A_607 = arith.cmpi sgt, %add3A_605, %gt3A_606 : i32
      %and3A_608 = arith.andi %lt3A_603, %gt3A_607 : i1
      %convert_element_type3A_609 = arith.extui %and3A_608 : i1 to i32
      %cond3A_610 = arith.constant 0 : i32
      %cond3A_611 = arith.cmpi ne, %convert_element_type3A_609, %cond3A_610 : i32
      scf.if %cond3A_611 {
        %mul3A_756 = arith.constant 112 : i32
        %mul3A_757 = arith.muli %add3A_591, %mul3A_756 : i32
        %dma_start3A_758 = arith.constant 0 : i32
        %dma_start3A_759 = arith.constant 0 : i32
        %dma_start3A_760 = tpu.memref_slice %arg9[%dma_start3A_758, %dma_start3A_759] : memref<112x128xf32, #tpu.memory_space<vmem>> -> memref<96x128xf32, #tpu.memory_space<vmem>>
        %dma_start3A_761 = tpu.memref_slice %arg5[%mul3A_757] : memref<3136xi32, #tpu.memory_space<vmem>> -> memref<96xi32, #tpu.memory_space<vmem>>
        %dma_start3A_762 = arith.constant 0 : i32
        %dma_start3A_763 = arith.constant 0 : i32
        %dma_start3A_764 = tpu.memref_slice %arg6[%dma_start3A_762, %dma_start3A_763] : memref<119x128xf32, #tpu.memory_space<vmem_shared>> -> memref<119x128xf32, #tpu.memory_space<vmem_shared>>
        tpu.enqueue_indirect_dma source(%dma_start3A_764 : memref<119x128xf32, #tpu.memory_space<vmem_shared>>) target(%dma_start3A_760 : memref<96x128xf32, #tpu.memory_space<vmem>>) offsets(%dma_start3A_761 : memref<96xi32, #tpu.memory_space<vmem>>) semaphore(%arg16 : memref<!tpu.dma_semaphore, #tpu.memory_space<semaphore_mem>>)
      } else {
      }
      %dma_wait3A_612 = arith.constant 0 : i32
      %dma_wait3A_613 = arith.constant 0 : i32
      %dma_wait3A_614 = tpu.memref_slice %arg10[%dma_wait3A_612, %dma_wait3A_613] : memref<112x128xf32, #tpu.memory_space<vmem>> -> memref<112x128xf32, #tpu.memory_space<vmem>>
      %dma_wait3A_615 = arith.constant 0 : i32
      %dma_wait3A_616 = arith.constant 0 : i32
      %dma_wait3A_617 = tpu.memref_slice %arg4[%dma_wait3A_615, %dma_wait3A_616] : memref<100000x128xf32, #tpu.memory_space<hbm>> -> memref<112x128xf32, #tpu.memory_space<hbm>>
      %dma_wait3A_618 = arith.constant 0 : i32
      %dma_wait3A_619 = arith.constant 0 : i32
      %dma_wait3A_620 = tpu.memref_slice %arg4[%dma_wait3A_618, %dma_wait3A_619] : memref<100000x128xf32, #tpu.memory_space<hbm>> -> memref<112x128xf32, #tpu.memory_space<hbm>>
      %dma_wait3A_621 = arith.constant 0 : i32
      %dma_wait3A_622 = arith.constant 0 : i32
      %dma_wait3A_623 = tpu.memref_slice %arg10[%dma_wait3A_621, %dma_wait3A_622] : memref<112x128xf32, #tpu.memory_space<vmem>> -> memref<112x128xf32, #tpu.memory_space<vmem>>
      tpu.wait_dma2 semaphore(%arg24 : memref<!tpu.dma_semaphore, #tpu.memory_space<semaphore_mem>>) src(%dma_wait3A_623 : memref<112x128xf32, #tpu.memory_space<vmem>>) dst(%dma_wait3A_620 : memref<112x128xf32, #tpu.memory_space<hbm>>)
      %add3A_624 = arith.constant 7 : i32
      %add3A_625 = arith.addi %mul3A_343, %add3A_624 : i32
      %add3A_626 = arith.constant 3 : i32
      %add3A_627 = arith.addi %add3A_625, %add3A_626 : i32
      %mul3A_628 = arith.constant 112 : i32
      %mul3A_629 = arith.muli %add3A_627, %mul3A_628 : i32
      %add3A_630 = arith.addi %mul3A_2, %mul3A_629 : i32
      %add3A_631 = arith.constant 112 : i32
      %add3A_632 = arith.addi %add3A_630, %add3A_631 : i32
      %le3A_633 = arith.constant 100000 : i32
      %le3A_634 = arith.cmpi sle, %add3A_632, %le3A_633 : i32
      %convert_element_type3A_635 = arith.extui %le3A_634 : i1 to i32
      %cond3A_636 = arith.constant 0 : i32
      %cond3A_637 = arith.cmpi ne, %convert_element_type3A_635, %cond3A_636 : i32
      scf.if %cond3A_637 {
        %mul3A_756 = arith.constant 112 : i32
        %mul3A_757 = arith.muli %add3A_627, %mul3A_756 : i32
        %dma_start3A_758 = arith.constant 0 : i32
        %dma_start3A_759 = arith.constant 0 : i32
        %dma_start3A_760 = tpu.memref_slice %arg10[%dma_start3A_758, %dma_start3A_759] : memref<112x128xf32, #tpu.memory_space<vmem>> -> memref<112x128xf32, #tpu.memory_space<vmem>>
        %dma_start3A_761 = tpu.memref_slice %arg5[%mul3A_757] : memref<3136xi32, #tpu.memory_space<vmem>> -> memref<112xi32, #tpu.memory_space<vmem>>
        %dma_start3A_762 = arith.constant 0 : i32
        %dma_start3A_763 = arith.constant 0 : i32
        %dma_start3A_764 = tpu.memref_slice %arg6[%dma_start3A_762, %dma_start3A_763] : memref<119x128xf32, #tpu.memory_space<vmem_shared>> -> memref<119x128xf32, #tpu.memory_space<vmem_shared>>
        tpu.enqueue_indirect_dma source(%dma_start3A_764 : memref<119x128xf32, #tpu.memory_space<vmem_shared>>) target(%dma_start3A_760 : memref<112x128xf32, #tpu.memory_space<vmem>>) offsets(%dma_start3A_761 : memref<112xi32, #tpu.memory_space<vmem>>) semaphore(%arg17 : memref<!tpu.dma_semaphore, #tpu.memory_space<semaphore_mem>>)
      } else {
      }
      %lt3A_638 = arith.constant 100000 : i32
      %lt3A_639 = arith.cmpi slt, %add3A_630, %lt3A_638 : i32
      %add3A_640 = arith.constant 112 : i32
      %add3A_641 = arith.addi %add3A_630, %add3A_640 : i32
      %gt3A_642 = arith.constant 100000 : i32
      %gt3A_643 = arith.cmpi sgt, %add3A_641, %gt3A_642 : i32
      %and3A_644 = arith.andi %lt3A_639, %gt3A_643 : i1
      %convert_element_type3A_645 = arith.extui %and3A_644 : i1 to i32
      %cond3A_646 = arith.constant 0 : i32
      %cond3A_647 = arith.cmpi ne, %convert_element_type3A_645, %cond3A_646 : i32
      scf.if %cond3A_647 {
        %mul3A_756 = arith.constant 112 : i32
        %mul3A_757 = arith.muli %add3A_627, %mul3A_756 : i32
        %dma_start3A_758 = arith.constant 0 : i32
        %dma_start3A_759 = arith.constant 0 : i32
        %dma_start3A_760 = tpu.memref_slice %arg10[%dma_start3A_758, %dma_start3A_759] : memref<112x128xf32, #tpu.memory_space<vmem>> -> memref<96x128xf32, #tpu.memory_space<vmem>>
        %dma_start3A_761 = tpu.memref_slice %arg5[%mul3A_757] : memref<3136xi32, #tpu.memory_space<vmem>> -> memref<96xi32, #tpu.memory_space<vmem>>
        %dma_start3A_762 = arith.constant 0 : i32
        %dma_start3A_763 = arith.constant 0 : i32
        %dma_start3A_764 = tpu.memref_slice %arg6[%dma_start3A_762, %dma_start3A_763] : memref<119x128xf32, #tpu.memory_space<vmem_shared>> -> memref<119x128xf32, #tpu.memory_space<vmem_shared>>
        tpu.enqueue_indirect_dma source(%dma_start3A_764 : memref<119x128xf32, #tpu.memory_space<vmem_shared>>) target(%dma_start3A_760 : memref<96x128xf32, #tpu.memory_space<vmem>>) offsets(%dma_start3A_761 : memref<96xi32, #tpu.memory_space<vmem>>) semaphore(%arg17 : memref<!tpu.dma_semaphore, #tpu.memory_space<semaphore_mem>>)
      } else {
      }
      %dma_wait3A_648 = arith.constant 0 : i32
      %dma_wait3A_649 = arith.constant 0 : i32
      %dma_wait3A_650 = tpu.memref_slice %arg11[%dma_wait3A_648, %dma_wait3A_649] : memref<112x128xf32, #tpu.memory_space<vmem>> -> memref<112x128xf32, #tpu.memory_space<vmem>>
      %dma_wait3A_651 = arith.constant 0 : i32
      %dma_wait3A_652 = arith.constant 0 : i32
      %dma_wait3A_653 = tpu.memref_slice %arg4[%dma_wait3A_651, %dma_wait3A_652] : memref<100000x128xf32, #tpu.memory_space<hbm>> -> memref<112x128xf32, #tpu.memory_space<hbm>>
      %dma_wait3A_654 = arith.constant 0 : i32
      %dma_wait3A_655 = arith.constant 0 : i32
      %dma_wait3A_656 = tpu.memref_slice %arg4[%dma_wait3A_654, %dma_wait3A_655] : memref<100000x128xf32, #tpu.memory_space<hbm>> -> memref<112x128xf32, #tpu.memory_space<hbm>>
      %dma_wait3A_657 = arith.constant 0 : i32
      %dma_wait3A_658 = arith.constant 0 : i32
      %dma_wait3A_659 = tpu.memref_slice %arg11[%dma_wait3A_657, %dma_wait3A_658] : memref<112x128xf32, #tpu.memory_space<vmem>> -> memref<112x128xf32, #tpu.memory_space<vmem>>
      tpu.wait_dma2 semaphore(%arg25 : memref<!tpu.dma_semaphore, #tpu.memory_space<semaphore_mem>>) src(%dma_wait3A_659 : memref<112x128xf32, #tpu.memory_space<vmem>>) dst(%dma_wait3A_656 : memref<112x128xf32, #tpu.memory_space<hbm>>)
      %add3A_660 = arith.constant 7 : i32
      %add3A_661 = arith.addi %mul3A_343, %add3A_660 : i32
      %add3A_662 = arith.constant 4 : i32
      %add3A_663 = arith.addi %add3A_661, %add3A_662 : i32
      %mul3A_664 = arith.constant 112 : i32
      %mul3A_665 = arith.muli %add3A_663, %mul3A_664 : i32
      %add3A_666 = arith.addi %mul3A_2, %mul3A_665 : i32
      %add3A_667 = arith.constant 112 : i32
      %add3A_668 = arith.addi %add3A_666, %add3A_667 : i32
      %le3A_669 = arith.constant 100000 : i32
      %le3A_670 = arith.cmpi sle, %add3A_668, %le3A_669 : i32
      %convert_element_type3A_671 = arith.extui %le3A_670 : i1 to i32
      %cond3A_672 = arith.constant 0 : i32
      %cond3A_673 = arith.cmpi ne, %convert_element_type3A_671, %cond3A_672 : i32
      scf.if %cond3A_673 {
        %mul3A_756 = arith.constant 112 : i32
        %mul3A_757 = arith.muli %add3A_663, %mul3A_756 : i32
        %dma_start3A_758 = arith.constant 0 : i32
        %dma_start3A_759 = arith.constant 0 : i32
        %dma_start3A_760 = tpu.memref_slice %arg11[%dma_start3A_758, %dma_start3A_759] : memref<112x128xf32, #tpu.memory_space<vmem>> -> memref<112x128xf32, #tpu.memory_space<vmem>>
        %dma_start3A_761 = tpu.memref_slice %arg5[%mul3A_757] : memref<3136xi32, #tpu.memory_space<vmem>> -> memref<112xi32, #tpu.memory_space<vmem>>
        %dma_start3A_762 = arith.constant 0 : i32
        %dma_start3A_763 = arith.constant 0 : i32
        %dma_start3A_764 = tpu.memref_slice %arg6[%dma_start3A_762, %dma_start3A_763] : memref<119x128xf32, #tpu.memory_space<vmem_shared>> -> memref<119x128xf32, #tpu.memory_space<vmem_shared>>
        tpu.enqueue_indirect_dma source(%dma_start3A_764 : memref<119x128xf32, #tpu.memory_space<vmem_shared>>) target(%dma_start3A_760 : memref<112x128xf32, #tpu.memory_space<vmem>>) offsets(%dma_start3A_761 : memref<112xi32, #tpu.memory_space<vmem>>) semaphore(%arg18 : memref<!tpu.dma_semaphore, #tpu.memory_space<semaphore_mem>>)
      } else {
      }
      %lt3A_674 = arith.constant 100000 : i32
      %lt3A_675 = arith.cmpi slt, %add3A_666, %lt3A_674 : i32
      %add3A_676 = arith.constant 112 : i32
      %add3A_677 = arith.addi %add3A_666, %add3A_676 : i32
      %gt3A_678 = arith.constant 100000 : i32
      %gt3A_679 = arith.cmpi sgt, %add3A_677, %gt3A_678 : i32
      %and3A_680 = arith.andi %lt3A_675, %gt3A_679 : i1
      %convert_element_type3A_681 = arith.extui %and3A_680 : i1 to i32
      %cond3A_682 = arith.constant 0 : i32
      %cond3A_683 = arith.cmpi ne, %convert_element_type3A_681, %cond3A_682 : i32
      scf.if %cond3A_683 {
        %mul3A_756 = arith.constant 112 : i32
        %mul3A_757 = arith.muli %add3A_663, %mul3A_756 : i32
        %dma_start3A_758 = arith.constant 0 : i32
        %dma_start3A_759 = arith.constant 0 : i32
        %dma_start3A_760 = tpu.memref_slice %arg11[%dma_start3A_758, %dma_start3A_759] : memref<112x128xf32, #tpu.memory_space<vmem>> -> memref<96x128xf32, #tpu.memory_space<vmem>>
        %dma_start3A_761 = tpu.memref_slice %arg5[%mul3A_757] : memref<3136xi32, #tpu.memory_space<vmem>> -> memref<96xi32, #tpu.memory_space<vmem>>
        %dma_start3A_762 = arith.constant 0 : i32
        %dma_start3A_763 = arith.constant 0 : i32
        %dma_start3A_764 = tpu.memref_slice %arg6[%dma_start3A_762, %dma_start3A_763] : memref<119x128xf32, #tpu.memory_space<vmem_shared>> -> memref<119x128xf32, #tpu.memory_space<vmem_shared>>
        tpu.enqueue_indirect_dma source(%dma_start3A_764 : memref<119x128xf32, #tpu.memory_space<vmem_shared>>) target(%dma_start3A_760 : memref<96x128xf32, #tpu.memory_space<vmem>>) offsets(%dma_start3A_761 : memref<96xi32, #tpu.memory_space<vmem>>) semaphore(%arg18 : memref<!tpu.dma_semaphore, #tpu.memory_space<semaphore_mem>>)
      } else {
      }
      %dma_wait3A_684 = arith.constant 0 : i32
      %dma_wait3A_685 = arith.constant 0 : i32
      %dma_wait3A_686 = tpu.memref_slice %arg12[%dma_wait3A_684, %dma_wait3A_685] : memref<112x128xf32, #tpu.memory_space<vmem>> -> memref<112x128xf32, #tpu.memory_space<vmem>>
      %dma_wait3A_687 = arith.constant 0 : i32
      %dma_wait3A_688 = arith.constant 0 : i32
      %dma_wait3A_689 = tpu.memref_slice %arg4[%dma_wait3A_687, %dma_wait3A_688] : memref<100000x128xf32, #tpu.memory_space<hbm>> -> memref<112x128xf32, #tpu.memory_space<hbm>>
      %dma_wait3A_690 = arith.constant 0 : i32
      %dma_wait3A_691 = arith.constant 0 : i32
      %dma_wait3A_692 = tpu.memref_slice %arg4[%dma_wait3A_690, %dma_wait3A_691] : memref<100000x128xf32, #tpu.memory_space<hbm>> -> memref<112x128xf32, #tpu.memory_space<hbm>>
      %dma_wait3A_693 = arith.constant 0 : i32
      %dma_wait3A_694 = arith.constant 0 : i32
      %dma_wait3A_695 = tpu.memref_slice %arg12[%dma_wait3A_693, %dma_wait3A_694] : memref<112x128xf32, #tpu.memory_space<vmem>> -> memref<112x128xf32, #tpu.memory_space<vmem>>
      tpu.wait_dma2 semaphore(%arg26 : memref<!tpu.dma_semaphore, #tpu.memory_space<semaphore_mem>>) src(%dma_wait3A_695 : memref<112x128xf32, #tpu.memory_space<vmem>>) dst(%dma_wait3A_692 : memref<112x128xf32, #tpu.memory_space<hbm>>)
      %add3A_696 = arith.constant 7 : i32
      %add3A_697 = arith.addi %mul3A_343, %add3A_696 : i32
      %add3A_698 = arith.constant 5 : i32
      %add3A_699 = arith.addi %add3A_697, %add3A_698 : i32
      %mul3A_700 = arith.constant 112 : i32
      %mul3A_701 = arith.muli %add3A_699, %mul3A_700 : i32
      %add3A_702 = arith.addi %mul3A_2, %mul3A_701 : i32
      %add3A_703 = arith.constant 112 : i32
      %add3A_704 = arith.addi %add3A_702, %add3A_703 : i32
      %le3A_705 = arith.constant 100000 : i32
      %le3A_706 = arith.cmpi sle, %add3A_704, %le3A_705 : i32
      %convert_element_type3A_707 = arith.extui %le3A_706 : i1 to i32
      %cond3A_708 = arith.constant 0 : i32
      %cond3A_709 = arith.cmpi ne, %convert_element_type3A_707, %cond3A_708 : i32
      scf.if %cond3A_709 {
        %mul3A_756 = arith.constant 112 : i32
        %mul3A_757 = arith.muli %add3A_699, %mul3A_756 : i32
        %dma_start3A_758 = arith.constant 0 : i32
        %dma_start3A_759 = arith.constant 0 : i32
        %dma_start3A_760 = tpu.memref_slice %arg12[%dma_start3A_758, %dma_start3A_759] : memref<112x128xf32, #tpu.memory_space<vmem>> -> memref<112x128xf32, #tpu.memory_space<vmem>>
        %dma_start3A_761 = tpu.memref_slice %arg5[%mul3A_757] : memref<3136xi32, #tpu.memory_space<vmem>> -> memref<112xi32, #tpu.memory_space<vmem>>
        %dma_start3A_762 = arith.constant 0 : i32
        %dma_start3A_763 = arith.constant 0 : i32
        %dma_start3A_764 = tpu.memref_slice %arg6[%dma_start3A_762, %dma_start3A_763] : memref<119x128xf32, #tpu.memory_space<vmem_shared>> -> memref<119x128xf32, #tpu.memory_space<vmem_shared>>
        tpu.enqueue_indirect_dma source(%dma_start3A_764 : memref<119x128xf32, #tpu.memory_space<vmem_shared>>) target(%dma_start3A_760 : memref<112x128xf32, #tpu.memory_space<vmem>>) offsets(%dma_start3A_761 : memref<112xi32, #tpu.memory_space<vmem>>) semaphore(%arg19 : memref<!tpu.dma_semaphore, #tpu.memory_space<semaphore_mem>>)
      } else {
      }
      %lt3A_710 = arith.constant 100000 : i32
      %lt3A_711 = arith.cmpi slt, %add3A_702, %lt3A_710 : i32
      %add3A_712 = arith.constant 112 : i32
      %add3A_713 = arith.addi %add3A_702, %add3A_712 : i32
      %gt3A_714 = arith.constant 100000 : i32
      %gt3A_715 = arith.cmpi sgt, %add3A_713, %gt3A_714 : i32
      %and3A_716 = arith.andi %lt3A_711, %gt3A_715 : i1
      %convert_element_type3A_717 = arith.extui %and3A_716 : i1 to i32
      %cond3A_718 = arith.constant 0 : i32
      %cond3A_719 = arith.cmpi ne, %convert_element_type3A_717, %cond3A_718 : i32
      scf.if %cond3A_719 {
        %mul3A_756 = arith.constant 112 : i32
        %mul3A_757 = arith.muli %add3A_699, %mul3A_756 : i32
        %dma_start3A_758 = arith.constant 0 : i32
        %dma_start3A_759 = arith.constant 0 : i32
        %dma_start3A_760 = tpu.memref_slice %arg12[%dma_start3A_758, %dma_start3A_759] : memref<112x128xf32, #tpu.memory_space<vmem>> -> memref<96x128xf32, #tpu.memory_space<vmem>>
        %dma_start3A_761 = tpu.memref_slice %arg5[%mul3A_757] : memref<3136xi32, #tpu.memory_space<vmem>> -> memref<96xi32, #tpu.memory_space<vmem>>
        %dma_start3A_762 = arith.constant 0 : i32
        %dma_start3A_763 = arith.constant 0 : i32
        %dma_start3A_764 = tpu.memref_slice %arg6[%dma_start3A_762, %dma_start3A_763] : memref<119x128xf32, #tpu.memory_space<vmem_shared>> -> memref<119x128xf32, #tpu.memory_space<vmem_shared>>
        tpu.enqueue_indirect_dma source(%dma_start3A_764 : memref<119x128xf32, #tpu.memory_space<vmem_shared>>) target(%dma_start3A_760 : memref<96x128xf32, #tpu.memory_space<vmem>>) offsets(%dma_start3A_761 : memref<96xi32, #tpu.memory_space<vmem>>) semaphore(%arg19 : memref<!tpu.dma_semaphore, #tpu.memory_space<semaphore_mem>>)
      } else {
      }
      %dma_wait3A_720 = arith.constant 0 : i32
      %dma_wait3A_721 = arith.constant 0 : i32
      %dma_wait3A_722 = tpu.memref_slice %arg13[%dma_wait3A_720, %dma_wait3A_721] : memref<112x128xf32, #tpu.memory_space<vmem>> -> memref<112x128xf32, #tpu.memory_space<vmem>>
      %dma_wait3A_723 = arith.constant 0 : i32
      %dma_wait3A_724 = arith.constant 0 : i32
      %dma_wait3A_725 = tpu.memref_slice %arg4[%dma_wait3A_723, %dma_wait3A_724] : memref<100000x128xf32, #tpu.memory_space<hbm>> -> memref<112x128xf32, #tpu.memory_space<hbm>>
      %dma_wait3A_726 = arith.constant 0 : i32
      %dma_wait3A_727 = arith.constant 0 : i32
      %dma_wait3A_728 = tpu.memref_slice %arg4[%dma_wait3A_726, %dma_wait3A_727] : memref<100000x128xf32, #tpu.memory_space<hbm>> -> memref<112x128xf32, #tpu.memory_space<hbm>>
      %dma_wait3A_729 = arith.constant 0 : i32
      %dma_wait3A_730 = arith.constant 0 : i32
      %dma_wait3A_731 = tpu.memref_slice %arg13[%dma_wait3A_729, %dma_wait3A_730] : memref<112x128xf32, #tpu.memory_space<vmem>> -> memref<112x128xf32, #tpu.memory_space<vmem>>
      tpu.wait_dma2 semaphore(%arg27 : memref<!tpu.dma_semaphore, #tpu.memory_space<semaphore_mem>>) src(%dma_wait3A_731 : memref<112x128xf32, #tpu.memory_space<vmem>>) dst(%dma_wait3A_728 : memref<112x128xf32, #tpu.memory_space<hbm>>)
      %add3A_732 = arith.constant 7 : i32
      %add3A_733 = arith.addi %mul3A_343, %add3A_732 : i32
      %add3A_734 = arith.constant 6 : i32
      %add3A_735 = arith.addi %add3A_733, %add3A_734 : i32
      %mul3A_736 = arith.constant 112 : i32
      %mul3A_737 = arith.muli %add3A_735, %mul3A_736 : i32
      %add3A_738 = arith.addi %mul3A_2, %mul3A_737 : i32
      %add3A_739 = arith.constant 112 : i32
      %add3A_740 = arith.addi %add3A_738, %add3A_739 : i32
      %le3A_741 = arith.constant 100000 : i32
      %le3A_742 = arith.cmpi sle, %add3A_740, %le3A_741 : i32
      %convert_element_type3A_743 = arith.extui %le3A_742 : i1 to i32
      %cond3A_744 = arith.constant 0 : i32
      %cond3A_745 = arith.cmpi ne, %convert_element_type3A_743, %cond3A_744 : i32
      scf.if %cond3A_745 {
        %mul3A_756 = arith.constant 112 : i32
        %mul3A_757 = arith.muli %add3A_735, %mul3A_756 : i32
        %dma_start3A_758 = arith.constant 0 : i32
        %dma_start3A_759 = arith.constant 0 : i32
        %dma_start3A_760 = tpu.memref_slice %arg13[%dma_start3A_758, %dma_start3A_759] : memref<112x128xf32, #tpu.memory_space<vmem>> -> memref<112x128xf32, #tpu.memory_space<vmem>>
        %dma_start3A_761 = tpu.memref_slice %arg5[%mul3A_757] : memref<3136xi32, #tpu.memory_space<vmem>> -> memref<112xi32, #tpu.memory_space<vmem>>
        %dma_start3A_762 = arith.constant 0 : i32
        %dma_start3A_763 = arith.constant 0 : i32
        %dma_start3A_764 = tpu.memref_slice %arg6[%dma_start3A_762, %dma_start3A_763] : memref<119x128xf32, #tpu.memory_space<vmem_shared>> -> memref<119x128xf32, #tpu.memory_space<vmem_shared>>
        tpu.enqueue_indirect_dma source(%dma_start3A_764 : memref<119x128xf32, #tpu.memory_space<vmem_shared>>) target(%dma_start3A_760 : memref<112x128xf32, #tpu.memory_space<vmem>>) offsets(%dma_start3A_761 : memref<112xi32, #tpu.memory_space<vmem>>) semaphore(%arg20 : memref<!tpu.dma_semaphore, #tpu.memory_space<semaphore_mem>>)
      } else {
      }
      %lt3A_746 = arith.constant 100000 : i32
      %lt3A_747 = arith.cmpi slt, %add3A_738, %lt3A_746 : i32
      %add3A_748 = arith.constant 112 : i32
      %add3A_749 = arith.addi %add3A_738, %add3A_748 : i32
      %gt3A_750 = arith.constant 100000 : i32
      %gt3A_751 = arith.cmpi sgt, %add3A_749, %gt3A_750 : i32
      %and3A_752 = arith.andi %lt3A_747, %gt3A_751 : i1
      %convert_element_type3A_753 = arith.extui %and3A_752 : i1 to i32
      %cond3A_754 = arith.constant 0 : i32
      %cond3A_755 = arith.cmpi ne, %convert_element_type3A_753, %cond3A_754 : i32
      scf.if %cond3A_755 {
        %mul3A_756 = arith.constant 112 : i32
        %mul3A_757 = arith.muli %add3A_735, %mul3A_756 : i32
        %dma_start3A_758 = arith.constant 0 : i32
        %dma_start3A_759 = arith.constant 0 : i32
        %dma_start3A_760 = tpu.memref_slice %arg13[%dma_start3A_758, %dma_start3A_759] : memref<112x128xf32, #tpu.memory_space<vmem>> -> memref<96x128xf32, #tpu.memory_space<vmem>>
        %dma_start3A_761 = tpu.memref_slice %arg5[%mul3A_757] : memref<3136xi32, #tpu.memory_space<vmem>> -> memref<96xi32, #tpu.memory_space<vmem>>
        %dma_start3A_762 = arith.constant 0 : i32
        %dma_start3A_763 = arith.constant 0 : i32
        %dma_start3A_764 = tpu.memref_slice %arg6[%dma_start3A_762, %dma_start3A_763] : memref<119x128xf32, #tpu.memory_space<vmem_shared>> -> memref<119x128xf32, #tpu.memory_space<vmem_shared>>
        tpu.enqueue_indirect_dma source(%dma_start3A_764 : memref<119x128xf32, #tpu.memory_space<vmem_shared>>) target(%dma_start3A_760 : memref<96x128xf32, #tpu.memory_space<vmem>>) offsets(%dma_start3A_761 : memref<96xi32, #tpu.memory_space<vmem>>) semaphore(%arg20 : memref<!tpu.dma_semaphore, #tpu.memory_space<semaphore_mem>>)
      } else {
      }
    }
    %scan3A_78 = arith.constant 3 : i32
    %add3A_79 = arith.constant 2352 : i32
    %add3A_80 = arith.addi %mul3A_2, %add3A_79 : i32
    %add3A_81 = arith.constant 112 : i32
    %add3A_82 = arith.addi %add3A_80, %add3A_81 : i32
    %le3A = arith.constant 100000 : i32
    %le3A_83 = arith.cmpi sle, %add3A_82, %le3A : i32
    %lt3A = arith.constant 100000 : i32
    %lt3A_84 = arith.cmpi slt, %add3A_80, %lt3A : i32
    %add3A_85 = arith.constant 112 : i32
    %add3A_86 = arith.addi %add3A_80, %add3A_85 : i32
    %gt3A = arith.constant 100000 : i32
    %gt3A_87 = arith.cmpi sgt, %add3A_86, %gt3A : i32
    %and3A = arith.andi %lt3A_84, %gt3A_87 : i1
    %convert_element_type3A_88 = arith.extui %le3A_83 : i1 to i32
    %cond3A_89 = arith.constant 0 : i32
    %cond3A_90 = arith.cmpi ne, %convert_element_type3A_88, %cond3A_89 : i32
    scf.if %cond3A_90 {
      %dma_wait3A = arith.constant 0 : i32
      %dma_wait3A_341 = arith.constant 0 : i32
      %dma_wait3A_342 = tpu.memref_slice %arg7[%dma_wait3A, %dma_wait3A_341] : memref<112x128xf32, #tpu.memory_space<vmem>> -> memref<112x128xf32, #tpu.memory_space<vmem>>
      %dma_wait3A_343 = arith.constant 0 : i32
      %dma_wait3A_344 = tpu.memref_slice %arg5[%dma_wait3A_343] : memref<3136xi32, #tpu.memory_space<vmem>> -> memref<112xi32, #tpu.memory_space<vmem>>
      %dma_wait3A_345 = arith.constant 0 : i32
      %dma_wait3A_346 = arith.constant 0 : i32
      %dma_wait3A_347 = tpu.memref_slice %arg6[%dma_wait3A_345, %dma_wait3A_346] : memref<119x128xf32, #tpu.memory_space<vmem_shared>> -> memref<119x128xf32, #tpu.memory_space<vmem_shared>>
      tpu.wait_indirect_dma semaphore(%arg14 : memref<!tpu.dma_semaphore, #tpu.memory_space<semaphore_mem>>) src(%dma_wait3A_347 : memref<119x128xf32, #tpu.memory_space<vmem_shared>>) dst(%dma_wait3A_342 : memref<112x128xf32, #tpu.memory_space<vmem>>)
      %add3A_348 = arith.constant 2352 : i32
      %add3A_349 = arith.addi %mul3A_2, %add3A_348 : i32
      %dma_start3A_350 = arith.constant 0 : i32
      %dma_start3A_351 = arith.constant 0 : i32
      %dma_start3A_352 = tpu.memref_slice %arg7[%dma_start3A_350, %dma_start3A_351] : memref<112x128xf32, #tpu.memory_space<vmem>> -> memref<112x128xf32, #tpu.memory_space<vmem>>
      %dma_start3A_353 = arith.constant 0 : i32
      %dma_start3A_354 = tpu.memref_slice %arg4[%add3A_349, %dma_start3A_353] : memref<100000x128xf32, #tpu.memory_space<hbm>> -> memref<112x128xf32, #tpu.memory_space<hbm>>
      %dma_start3A_355 = arith.constant 0 : i32
      %dma_start3A_356 = tpu.memref_slice %arg4[%add3A_349, %dma_start3A_355] : memref<100000x128xf32, #tpu.memory_space<hbm>> -> memref<112x128xf32, #tpu.memory_space<hbm>>
      %dma_start3A_357 = arith.constant 0 : i32
      %dma_start3A_358 = arith.constant 0 : i32
      %dma_start3A_359 = tpu.memref_slice %arg7[%dma_start3A_357, %dma_start3A_358] : memref<112x128xf32, #tpu.memory_space<vmem>> -> memref<112x128xf32, #tpu.memory_space<vmem>>
      tpu.enqueue_dma source(%dma_start3A_359 : memref<112x128xf32, #tpu.memory_space<vmem>>) target(%dma_start3A_356 : memref<112x128xf32, #tpu.memory_space<hbm>>) target_semaphore(%arg21 : memref<!tpu.dma_semaphore, #tpu.memory_space<semaphore_mem>>)
    } else {
    }
    %convert_element_type3A_91 = arith.extui %and3A : i1 to i32
    %cond3A_92 = arith.constant 0 : i32
    %cond3A_93 = arith.cmpi ne, %convert_element_type3A_91, %cond3A_92 : i32
    scf.if %cond3A_93 {
      %dma_wait3A = arith.constant 0 : i32
      %dma_wait3A_341 = arith.constant 0 : i32
      %dma_wait3A_342 = tpu.memref_slice %arg7[%dma_wait3A, %dma_wait3A_341] : memref<112x128xf32, #tpu.memory_space<vmem>> -> memref<96x128xf32, #tpu.memory_space<vmem>>
      %dma_wait3A_343 = arith.constant 0 : i32
      %dma_wait3A_344 = tpu.memref_slice %arg5[%dma_wait3A_343] : memref<3136xi32, #tpu.memory_space<vmem>> -> memref<96xi32, #tpu.memory_space<vmem>>
      %dma_wait3A_345 = arith.constant 0 : i32
      %dma_wait3A_346 = arith.constant 0 : i32
      %dma_wait3A_347 = tpu.memref_slice %arg6[%dma_wait3A_345, %dma_wait3A_346] : memref<119x128xf32, #tpu.memory_space<vmem_shared>> -> memref<119x128xf32, #tpu.memory_space<vmem_shared>>
      tpu.wait_indirect_dma semaphore(%arg14 : memref<!tpu.dma_semaphore, #tpu.memory_space<semaphore_mem>>) src(%dma_wait3A_347 : memref<119x128xf32, #tpu.memory_space<vmem_shared>>) dst(%dma_wait3A_342 : memref<96x128xf32, #tpu.memory_space<vmem>>)
      %add3A_348 = arith.constant 2352 : i32
      %add3A_349 = arith.addi %mul3A_2, %add3A_348 : i32
      %dma_start3A_350 = arith.constant 0 : i32
      %dma_start3A_351 = arith.constant 0 : i32
      %dma_start3A_352 = tpu.memref_slice %arg7[%dma_start3A_350, %dma_start3A_351] : memref<112x128xf32, #tpu.memory_space<vmem>> -> memref<96x128xf32, #tpu.memory_space<vmem>>
      %dma_start3A_353 = arith.constant 0 : i32
      %dma_start3A_354 = tpu.memref_slice %arg4[%add3A_349, %dma_start3A_353] : memref<100000x128xf32, #tpu.memory_space<hbm>> -> memref<96x128xf32, #tpu.memory_space<hbm>>
      %dma_start3A_355 = arith.constant 0 : i32
      %dma_start3A_356 = tpu.memref_slice %arg4[%add3A_349, %dma_start3A_355] : memref<100000x128xf32, #tpu.memory_space<hbm>> -> memref<96x128xf32, #tpu.memory_space<hbm>>
      %dma_start3A_357 = arith.constant 0 : i32
      %dma_start3A_358 = arith.constant 0 : i32
      %dma_start3A_359 = tpu.memref_slice %arg7[%dma_start3A_357, %dma_start3A_358] : memref<112x128xf32, #tpu.memory_space<vmem>> -> memref<96x128xf32, #tpu.memory_space<vmem>>
      tpu.enqueue_dma source(%dma_start3A_359 : memref<96x128xf32, #tpu.memory_space<vmem>>) target(%dma_start3A_356 : memref<96x128xf32, #tpu.memory_space<hbm>>) target_semaphore(%arg21 : memref<!tpu.dma_semaphore, #tpu.memory_space<semaphore_mem>>)
    } else {
    }
    %add3A_94 = arith.constant 2464 : i32
    %add3A_95 = arith.addi %mul3A_2, %add3A_94 : i32
    %add3A_96 = arith.constant 112 : i32
    %add3A_97 = arith.addi %add3A_95, %add3A_96 : i32
    %le3A_98 = arith.constant 100000 : i32
    %le3A_99 = arith.cmpi sle, %add3A_97, %le3A_98 : i32
    %lt3A_100 = arith.constant 100000 : i32
    %lt3A_101 = arith.cmpi slt, %add3A_95, %lt3A_100 : i32
    %add3A_102 = arith.constant 112 : i32
    %add3A_103 = arith.addi %add3A_95, %add3A_102 : i32
    %gt3A_104 = arith.constant 100000 : i32
    %gt3A_105 = arith.cmpi sgt, %add3A_103, %gt3A_104 : i32
    %and3A_106 = arith.andi %lt3A_101, %gt3A_105 : i1
    %convert_element_type3A_107 = arith.extui %le3A_99 : i1 to i32
    %cond3A_108 = arith.constant 0 : i32
    %cond3A_109 = arith.cmpi ne, %convert_element_type3A_107, %cond3A_108 : i32
    scf.if %cond3A_109 {
      %dma_wait3A = arith.constant 0 : i32
      %dma_wait3A_341 = arith.constant 0 : i32
      %dma_wait3A_342 = tpu.memref_slice %arg8[%dma_wait3A, %dma_wait3A_341] : memref<112x128xf32, #tpu.memory_space<vmem>> -> memref<112x128xf32, #tpu.memory_space<vmem>>
      %dma_wait3A_343 = arith.constant 0 : i32
      %dma_wait3A_344 = tpu.memref_slice %arg5[%dma_wait3A_343] : memref<3136xi32, #tpu.memory_space<vmem>> -> memref<112xi32, #tpu.memory_space<vmem>>
      %dma_wait3A_345 = arith.constant 0 : i32
      %dma_wait3A_346 = arith.constant 0 : i32
      %dma_wait3A_347 = tpu.memref_slice %arg6[%dma_wait3A_345, %dma_wait3A_346] : memref<119x128xf32, #tpu.memory_space<vmem_shared>> -> memref<119x128xf32, #tpu.memory_space<vmem_shared>>
      tpu.wait_indirect_dma semaphore(%arg15 : memref<!tpu.dma_semaphore, #tpu.memory_space<semaphore_mem>>) src(%dma_wait3A_347 : memref<119x128xf32, #tpu.memory_space<vmem_shared>>) dst(%dma_wait3A_342 : memref<112x128xf32, #tpu.memory_space<vmem>>)
      %add3A_348 = arith.constant 2464 : i32
      %add3A_349 = arith.addi %mul3A_2, %add3A_348 : i32
      %dma_start3A_350 = arith.constant 0 : i32
      %dma_start3A_351 = arith.constant 0 : i32
      %dma_start3A_352 = tpu.memref_slice %arg8[%dma_start3A_350, %dma_start3A_351] : memref<112x128xf32, #tpu.memory_space<vmem>> -> memref<112x128xf32, #tpu.memory_space<vmem>>
      %dma_start3A_353 = arith.constant 0 : i32
      %dma_start3A_354 = tpu.memref_slice %arg4[%add3A_349, %dma_start3A_353] : memref<100000x128xf32, #tpu.memory_space<hbm>> -> memref<112x128xf32, #tpu.memory_space<hbm>>
      %dma_start3A_355 = arith.constant 0 : i32
      %dma_start3A_356 = tpu.memref_slice %arg4[%add3A_349, %dma_start3A_355] : memref<100000x128xf32, #tpu.memory_space<hbm>> -> memref<112x128xf32, #tpu.memory_space<hbm>>
      %dma_start3A_357 = arith.constant 0 : i32
      %dma_start3A_358 = arith.constant 0 : i32
      %dma_start3A_359 = tpu.memref_slice %arg8[%dma_start3A_357, %dma_start3A_358] : memref<112x128xf32, #tpu.memory_space<vmem>> -> memref<112x128xf32, #tpu.memory_space<vmem>>
      tpu.enqueue_dma source(%dma_start3A_359 : memref<112x128xf32, #tpu.memory_space<vmem>>) target(%dma_start3A_356 : memref<112x128xf32, #tpu.memory_space<hbm>>) target_semaphore(%arg22 : memref<!tpu.dma_semaphore, #tpu.memory_space<semaphore_mem>>)
    } else {
    }
    %convert_element_type3A_110 = arith.extui %and3A_106 : i1 to i32
    %cond3A_111 = arith.constant 0 : i32
    %cond3A_112 = arith.cmpi ne, %convert_element_type3A_110, %cond3A_111 : i32
    scf.if %cond3A_112 {
      %dma_wait3A = arith.constant 0 : i32
      %dma_wait3A_341 = arith.constant 0 : i32
      %dma_wait3A_342 = tpu.memref_slice %arg8[%dma_wait3A, %dma_wait3A_341] : memref<112x128xf32, #tpu.memory_space<vmem>> -> memref<96x128xf32, #tpu.memory_space<vmem>>
      %dma_wait3A_343 = arith.constant 0 : i32
      %dma_wait3A_344 = tpu.memref_slice %arg5[%dma_wait3A_343] : memref<3136xi32, #tpu.memory_space<vmem>> -> memref<96xi32, #tpu.memory_space<vmem>>
      %dma_wait3A_345 = arith.constant 0 : i32
      %dma_wait3A_346 = arith.constant 0 : i32
      %dma_wait3A_347 = tpu.memref_slice %arg6[%dma_wait3A_345, %dma_wait3A_346] : memref<119x128xf32, #tpu.memory_space<vmem_shared>> -> memref<119x128xf32, #tpu.memory_space<vmem_shared>>
      tpu.wait_indirect_dma semaphore(%arg15 : memref<!tpu.dma_semaphore, #tpu.memory_space<semaphore_mem>>) src(%dma_wait3A_347 : memref<119x128xf32, #tpu.memory_space<vmem_shared>>) dst(%dma_wait3A_342 : memref<96x128xf32, #tpu.memory_space<vmem>>)
      %add3A_348 = arith.constant 2464 : i32
      %add3A_349 = arith.addi %mul3A_2, %add3A_348 : i32
      %dma_start3A_350 = arith.constant 0 : i32
      %dma_start3A_351 = arith.constant 0 : i32
      %dma_start3A_352 = tpu.memref_slice %arg8[%dma_start3A_350, %dma_start3A_351] : memref<112x128xf32, #tpu.memory_space<vmem>> -> memref<96x128xf32, #tpu.memory_space<vmem>>
      %dma_start3A_353 = arith.constant 0 : i32
      %dma_start3A_354 = tpu.memref_slice %arg4[%add3A_349, %dma_start3A_353] : memref<100000x128xf32, #tpu.memory_space<hbm>> -> memref<96x128xf32, #tpu.memory_space<hbm>>
      %dma_start3A_355 = arith.constant 0 : i32
      %dma_start3A_356 = tpu.memref_slice %arg4[%add3A_349, %dma_start3A_355] : memref<100000x128xf32, #tpu.memory_space<hbm>> -> memref<96x128xf32, #tpu.memory_space<hbm>>
      %dma_start3A_357 = arith.constant 0 : i32
      %dma_start3A_358 = arith.constant 0 : i32
      %dma_start3A_359 = tpu.memref_slice %arg8[%dma_start3A_357, %dma_start3A_358] : memref<112x128xf32, #tpu.memory_space<vmem>> -> memref<96x128xf32, #tpu.memory_space<vmem>>
      tpu.enqueue_dma source(%dma_start3A_359 : memref<96x128xf32, #tpu.memory_space<vmem>>) target(%dma_start3A_356 : memref<96x128xf32, #tpu.memory_space<hbm>>) target_semaphore(%arg22 : memref<!tpu.dma_semaphore, #tpu.memory_space<semaphore_mem>>)
    } else {
    }
    %add3A_113 = arith.constant 2576 : i32
    %add3A_114 = arith.addi %mul3A_2, %add3A_113 : i32
    %add3A_115 = arith.constant 112 : i32
    %add3A_116 = arith.addi %add3A_114, %add3A_115 : i32
    %le3A_117 = arith.constant 100000 : i32
    %le3A_118 = arith.cmpi sle, %add3A_116, %le3A_117 : i32
    %lt3A_119 = arith.constant 100000 : i32
    %lt3A_120 = arith.cmpi slt, %add3A_114, %lt3A_119 : i32
    %add3A_121 = arith.constant 112 : i32
    %add3A_122 = arith.addi %add3A_114, %add3A_121 : i32
    %gt3A_123 = arith.constant 100000 : i32
    %gt3A_124 = arith.cmpi sgt, %add3A_122, %gt3A_123 : i32
    %and3A_125 = arith.andi %lt3A_120, %gt3A_124 : i1
    %convert_element_type3A_126 = arith.extui %le3A_118 : i1 to i32
    %cond3A_127 = arith.constant 0 : i32
    %cond3A_128 = arith.cmpi ne, %convert_element_type3A_126, %cond3A_127 : i32
    scf.if %cond3A_128 {
      %dma_wait3A = arith.constant 0 : i32
      %dma_wait3A_341 = arith.constant 0 : i32
      %dma_wait3A_342 = tpu.memref_slice %arg9[%dma_wait3A, %dma_wait3A_341] : memref<112x128xf32, #tpu.memory_space<vmem>> -> memref<112x128xf32, #tpu.memory_space<vmem>>
      %dma_wait3A_343 = arith.constant 0 : i32
      %dma_wait3A_344 = tpu.memref_slice %arg5[%dma_wait3A_343] : memref<3136xi32, #tpu.memory_space<vmem>> -> memref<112xi32, #tpu.memory_space<vmem>>
      %dma_wait3A_345 = arith.constant 0 : i32
      %dma_wait3A_346 = arith.constant 0 : i32
      %dma_wait3A_347 = tpu.memref_slice %arg6[%dma_wait3A_345, %dma_wait3A_346] : memref<119x128xf32, #tpu.memory_space<vmem_shared>> -> memref<119x128xf32, #tpu.memory_space<vmem_shared>>
      tpu.wait_indirect_dma semaphore(%arg16 : memref<!tpu.dma_semaphore, #tpu.memory_space<semaphore_mem>>) src(%dma_wait3A_347 : memref<119x128xf32, #tpu.memory_space<vmem_shared>>) dst(%dma_wait3A_342 : memref<112x128xf32, #tpu.memory_space<vmem>>)
      %add3A_348 = arith.constant 2576 : i32
      %add3A_349 = arith.addi %mul3A_2, %add3A_348 : i32
      %dma_start3A_350 = arith.constant 0 : i32
      %dma_start3A_351 = arith.constant 0 : i32
      %dma_start3A_352 = tpu.memref_slice %arg9[%dma_start3A_350, %dma_start3A_351] : memref<112x128xf32, #tpu.memory_space<vmem>> -> memref<112x128xf32, #tpu.memory_space<vmem>>
      %dma_start3A_353 = arith.constant 0 : i32
      %dma_start3A_354 = tpu.memref_slice %arg4[%add3A_349, %dma_start3A_353] : memref<100000x128xf32, #tpu.memory_space<hbm>> -> memref<112x128xf32, #tpu.memory_space<hbm>>
      %dma_start3A_355 = arith.constant 0 : i32
      %dma_start3A_356 = tpu.memref_slice %arg4[%add3A_349, %dma_start3A_355] : memref<100000x128xf32, #tpu.memory_space<hbm>> -> memref<112x128xf32, #tpu.memory_space<hbm>>
      %dma_start3A_357 = arith.constant 0 : i32
      %dma_start3A_358 = arith.constant 0 : i32
      %dma_start3A_359 = tpu.memref_slice %arg9[%dma_start3A_357, %dma_start3A_358] : memref<112x128xf32, #tpu.memory_space<vmem>> -> memref<112x128xf32, #tpu.memory_space<vmem>>
      tpu.enqueue_dma source(%dma_start3A_359 : memref<112x128xf32, #tpu.memory_space<vmem>>) target(%dma_start3A_356 : memref<112x128xf32, #tpu.memory_space<hbm>>) target_semaphore(%arg23 : memref<!tpu.dma_semaphore, #tpu.memory_space<semaphore_mem>>)
    } else {
    }
    %convert_element_type3A_129 = arith.extui %and3A_125 : i1 to i32
    %cond3A_130 = arith.constant 0 : i32
    %cond3A_131 = arith.cmpi ne, %convert_element_type3A_129, %cond3A_130 : i32
    scf.if %cond3A_131 {
      %dma_wait3A = arith.constant 0 : i32
      %dma_wait3A_341 = arith.constant 0 : i32
      %dma_wait3A_342 = tpu.memref_slice %arg9[%dma_wait3A, %dma_wait3A_341] : memref<112x128xf32, #tpu.memory_space<vmem>> -> memref<96x128xf32, #tpu.memory_space<vmem>>
      %dma_wait3A_343 = arith.constant 0 : i32
      %dma_wait3A_344 = tpu.memref_slice %arg5[%dma_wait3A_343] : memref<3136xi32, #tpu.memory_space<vmem>> -> memref<96xi32, #tpu.memory_space<vmem>>
      %dma_wait3A_345 = arith.constant 0 : i32
      %dma_wait3A_346 = arith.constant 0 : i32
      %dma_wait3A_347 = tpu.memref_slice %arg6[%dma_wait3A_345, %dma_wait3A_346] : memref<119x128xf32, #tpu.memory_space<vmem_shared>> -> memref<119x128xf32, #tpu.memory_space<vmem_shared>>
      tpu.wait_indirect_dma semaphore(%arg16 : memref<!tpu.dma_semaphore, #tpu.memory_space<semaphore_mem>>) src(%dma_wait3A_347 : memref<119x128xf32, #tpu.memory_space<vmem_shared>>) dst(%dma_wait3A_342 : memref<96x128xf32, #tpu.memory_space<vmem>>)
      %add3A_348 = arith.constant 2576 : i32
      %add3A_349 = arith.addi %mul3A_2, %add3A_348 : i32
      %dma_start3A_350 = arith.constant 0 : i32
      %dma_start3A_351 = arith.constant 0 : i32
      %dma_start3A_352 = tpu.memref_slice %arg9[%dma_start3A_350, %dma_start3A_351] : memref<112x128xf32, #tpu.memory_space<vmem>> -> memref<96x128xf32, #tpu.memory_space<vmem>>
      %dma_start3A_353 = arith.constant 0 : i32
      %dma_start3A_354 = tpu.memref_slice %arg4[%add3A_349, %dma_start3A_353] : memref<100000x128xf32, #tpu.memory_space<hbm>> -> memref<96x128xf32, #tpu.memory_space<hbm>>
      %dma_start3A_355 = arith.constant 0 : i32
      %dma_start3A_356 = tpu.memref_slice %arg4[%add3A_349, %dma_start3A_355] : memref<100000x128xf32, #tpu.memory_space<hbm>> -> memref<96x128xf32, #tpu.memory_space<hbm>>
      %dma_start3A_357 = arith.constant 0 : i32
      %dma_start3A_358 = arith.constant 0 : i32
      %dma_start3A_359 = tpu.memref_slice %arg9[%dma_start3A_357, %dma_start3A_358] : memref<112x128xf32, #tpu.memory_space<vmem>> -> memref<96x128xf32, #tpu.memory_space<vmem>>
      tpu.enqueue_dma source(%dma_start3A_359 : memref<96x128xf32, #tpu.memory_space<vmem>>) target(%dma_start3A_356 : memref<96x128xf32, #tpu.memory_space<hbm>>) target_semaphore(%arg23 : memref<!tpu.dma_semaphore, #tpu.memory_space<semaphore_mem>>)
    } else {
    }
    %add3A_132 = arith.constant 2688 : i32
    %add3A_133 = arith.addi %mul3A_2, %add3A_132 : i32
    %add3A_134 = arith.constant 112 : i32
    %add3A_135 = arith.addi %add3A_133, %add3A_134 : i32
    %le3A_136 = arith.constant 100000 : i32
    %le3A_137 = arith.cmpi sle, %add3A_135, %le3A_136 : i32
    %lt3A_138 = arith.constant 100000 : i32
    %lt3A_139 = arith.cmpi slt, %add3A_133, %lt3A_138 : i32
    %add3A_140 = arith.constant 112 : i32
    %add3A_141 = arith.addi %add3A_133, %add3A_140 : i32
    %gt3A_142 = arith.constant 100000 : i32
    %gt3A_143 = arith.cmpi sgt, %add3A_141, %gt3A_142 : i32
    %and3A_144 = arith.andi %lt3A_139, %gt3A_143 : i1
    %convert_element_type3A_145 = arith.extui %le3A_137 : i1 to i32
    %cond3A_146 = arith.constant 0 : i32
    %cond3A_147 = arith.cmpi ne, %convert_element_type3A_145, %cond3A_146 : i32
    scf.if %cond3A_147 {
      %dma_wait3A = arith.constant 0 : i32
      %dma_wait3A_341 = arith.constant 0 : i32
      %dma_wait3A_342 = tpu.memref_slice %arg10[%dma_wait3A, %dma_wait3A_341] : memref<112x128xf32, #tpu.memory_space<vmem>> -> memref<112x128xf32, #tpu.memory_space<vmem>>
      %dma_wait3A_343 = arith.constant 0 : i32
      %dma_wait3A_344 = tpu.memref_slice %arg5[%dma_wait3A_343] : memref<3136xi32, #tpu.memory_space<vmem>> -> memref<112xi32, #tpu.memory_space<vmem>>
      %dma_wait3A_345 = arith.constant 0 : i32
      %dma_wait3A_346 = arith.constant 0 : i32
      %dma_wait3A_347 = tpu.memref_slice %arg6[%dma_wait3A_345, %dma_wait3A_346] : memref<119x128xf32, #tpu.memory_space<vmem_shared>> -> memref<119x128xf32, #tpu.memory_space<vmem_shared>>
      tpu.wait_indirect_dma semaphore(%arg17 : memref<!tpu.dma_semaphore, #tpu.memory_space<semaphore_mem>>) src(%dma_wait3A_347 : memref<119x128xf32, #tpu.memory_space<vmem_shared>>) dst(%dma_wait3A_342 : memref<112x128xf32, #tpu.memory_space<vmem>>)
      %add3A_348 = arith.constant 2688 : i32
      %add3A_349 = arith.addi %mul3A_2, %add3A_348 : i32
      %dma_start3A_350 = arith.constant 0 : i32
      %dma_start3A_351 = arith.constant 0 : i32
      %dma_start3A_352 = tpu.memref_slice %arg10[%dma_start3A_350, %dma_start3A_351] : memref<112x128xf32, #tpu.memory_space<vmem>> -> memref<112x128xf32, #tpu.memory_space<vmem>>
      %dma_start3A_353 = arith.constant 0 : i32
      %dma_start3A_354 = tpu.memref_slice %arg4[%add3A_349, %dma_start3A_353] : memref<100000x128xf32, #tpu.memory_space<hbm>> -> memref<112x128xf32, #tpu.memory_space<hbm>>
      %dma_start3A_355 = arith.constant 0 : i32
      %dma_start3A_356 = tpu.memref_slice %arg4[%add3A_349, %dma_start3A_355] : memref<100000x128xf32, #tpu.memory_space<hbm>> -> memref<112x128xf32, #tpu.memory_space<hbm>>
      %dma_start3A_357 = arith.constant 0 : i32
      %dma_start3A_358 = arith.constant 0 : i32
      %dma_start3A_359 = tpu.memref_slice %arg10[%dma_start3A_357, %dma_start3A_358] : memref<112x128xf32, #tpu.memory_space<vmem>> -> memref<112x128xf32, #tpu.memory_space<vmem>>
      tpu.enqueue_dma source(%dma_start3A_359 : memref<112x128xf32, #tpu.memory_space<vmem>>) target(%dma_start3A_356 : memref<112x128xf32, #tpu.memory_space<hbm>>) target_semaphore(%arg24 : memref<!tpu.dma_semaphore, #tpu.memory_space<semaphore_mem>>)
    } else {
    }
    %convert_element_type3A_148 = arith.extui %and3A_144 : i1 to i32
    %cond3A_149 = arith.constant 0 : i32
    %cond3A_150 = arith.cmpi ne, %convert_element_type3A_148, %cond3A_149 : i32
    scf.if %cond3A_150 {
      %dma_wait3A = arith.constant 0 : i32
      %dma_wait3A_341 = arith.constant 0 : i32
      %dma_wait3A_342 = tpu.memref_slice %arg10[%dma_wait3A, %dma_wait3A_341] : memref<112x128xf32, #tpu.memory_space<vmem>> -> memref<96x128xf32, #tpu.memory_space<vmem>>
      %dma_wait3A_343 = arith.constant 0 : i32
      %dma_wait3A_344 = tpu.memref_slice %arg5[%dma_wait3A_343] : memref<3136xi32, #tpu.memory_space<vmem>> -> memref<96xi32, #tpu.memory_space<vmem>>
      %dma_wait3A_345 = arith.constant 0 : i32
      %dma_wait3A_346 = arith.constant 0 : i32
      %dma_wait3A_347 = tpu.memref_slice %arg6[%dma_wait3A_345, %dma_wait3A_346] : memref<119x128xf32, #tpu.memory_space<vmem_shared>> -> memref<119x128xf32, #tpu.memory_space<vmem_shared>>
      tpu.wait_indirect_dma semaphore(%arg17 : memref<!tpu.dma_semaphore, #tpu.memory_space<semaphore_mem>>) src(%dma_wait3A_347 : memref<119x128xf32, #tpu.memory_space<vmem_shared>>) dst(%dma_wait3A_342 : memref<96x128xf32, #tpu.memory_space<vmem>>)
      %add3A_348 = arith.constant 2688 : i32
      %add3A_349 = arith.addi %mul3A_2, %add3A_348 : i32
      %dma_start3A_350 = arith.constant 0 : i32
      %dma_start3A_351 = arith.constant 0 : i32
      %dma_start3A_352 = tpu.memref_slice %arg10[%dma_start3A_350, %dma_start3A_351] : memref<112x128xf32, #tpu.memory_space<vmem>> -> memref<96x128xf32, #tpu.memory_space<vmem>>
      %dma_start3A_353 = arith.constant 0 : i32
      %dma_start3A_354 = tpu.memref_slice %arg4[%add3A_349, %dma_start3A_353] : memref<100000x128xf32, #tpu.memory_space<hbm>> -> memref<96x128xf32, #tpu.memory_space<hbm>>
      %dma_start3A_355 = arith.constant 0 : i32
      %dma_start3A_356 = tpu.memref_slice %arg4[%add3A_349, %dma_start3A_355] : memref<100000x128xf32, #tpu.memory_space<hbm>> -> memref<96x128xf32, #tpu.memory_space<hbm>>
      %dma_start3A_357 = arith.constant 0 : i32
      %dma_start3A_358 = arith.constant 0 : i32
      %dma_start3A_359 = tpu.memref_slice %arg10[%dma_start3A_357, %dma_start3A_358] : memref<112x128xf32, #tpu.memory_space<vmem>> -> memref<96x128xf32, #tpu.memory_space<vmem>>
      tpu.enqueue_dma source(%dma_start3A_359 : memref<96x128xf32, #tpu.memory_space<vmem>>) target(%dma_start3A_356 : memref<96x128xf32, #tpu.memory_space<hbm>>) target_semaphore(%arg24 : memref<!tpu.dma_semaphore, #tpu.memory_space<semaphore_mem>>)
    } else {
    }
    %add3A_151 = arith.constant 2800 : i32
    %add3A_152 = arith.addi %mul3A_2, %add3A_151 : i32
    %add3A_153 = arith.constant 112 : i32
    %add3A_154 = arith.addi %add3A_152, %add3A_153 : i32
    %le3A_155 = arith.constant 100000 : i32
    %le3A_156 = arith.cmpi sle, %add3A_154, %le3A_155 : i32
    %lt3A_157 = arith.constant 100000 : i32
    %lt3A_158 = arith.cmpi slt, %add3A_152, %lt3A_157 : i32
    %add3A_159 = arith.constant 112 : i32
    %add3A_160 = arith.addi %add3A_152, %add3A_159 : i32
    %gt3A_161 = arith.constant 100000 : i32
    %gt3A_162 = arith.cmpi sgt, %add3A_160, %gt3A_161 : i32
    %and3A_163 = arith.andi %lt3A_158, %gt3A_162 : i1
    %convert_element_type3A_164 = arith.extui %le3A_156 : i1 to i32
    %cond3A_165 = arith.constant 0 : i32
    %cond3A_166 = arith.cmpi ne, %convert_element_type3A_164, %cond3A_165 : i32
    scf.if %cond3A_166 {
      %dma_wait3A = arith.constant 0 : i32
      %dma_wait3A_341 = arith.constant 0 : i32
      %dma_wait3A_342 = tpu.memref_slice %arg11[%dma_wait3A, %dma_wait3A_341] : memref<112x128xf32, #tpu.memory_space<vmem>> -> memref<112x128xf32, #tpu.memory_space<vmem>>
      %dma_wait3A_343 = arith.constant 0 : i32
      %dma_wait3A_344 = tpu.memref_slice %arg5[%dma_wait3A_343] : memref<3136xi32, #tpu.memory_space<vmem>> -> memref<112xi32, #tpu.memory_space<vmem>>
      %dma_wait3A_345 = arith.constant 0 : i32
      %dma_wait3A_346 = arith.constant 0 : i32
      %dma_wait3A_347 = tpu.memref_slice %arg6[%dma_wait3A_345, %dma_wait3A_346] : memref<119x128xf32, #tpu.memory_space<vmem_shared>> -> memref<119x128xf32, #tpu.memory_space<vmem_shared>>
      tpu.wait_indirect_dma semaphore(%arg18 : memref<!tpu.dma_semaphore, #tpu.memory_space<semaphore_mem>>) src(%dma_wait3A_347 : memref<119x128xf32, #tpu.memory_space<vmem_shared>>) dst(%dma_wait3A_342 : memref<112x128xf32, #tpu.memory_space<vmem>>)
      %add3A_348 = arith.constant 2800 : i32
      %add3A_349 = arith.addi %mul3A_2, %add3A_348 : i32
      %dma_start3A_350 = arith.constant 0 : i32
      %dma_start3A_351 = arith.constant 0 : i32
      %dma_start3A_352 = tpu.memref_slice %arg11[%dma_start3A_350, %dma_start3A_351] : memref<112x128xf32, #tpu.memory_space<vmem>> -> memref<112x128xf32, #tpu.memory_space<vmem>>
      %dma_start3A_353 = arith.constant 0 : i32
      %dma_start3A_354 = tpu.memref_slice %arg4[%add3A_349, %dma_start3A_353] : memref<100000x128xf32, #tpu.memory_space<hbm>> -> memref<112x128xf32, #tpu.memory_space<hbm>>
      %dma_start3A_355 = arith.constant 0 : i32
      %dma_start3A_356 = tpu.memref_slice %arg4[%add3A_349, %dma_start3A_355] : memref<100000x128xf32, #tpu.memory_space<hbm>> -> memref<112x128xf32, #tpu.memory_space<hbm>>
      %dma_start3A_357 = arith.constant 0 : i32
      %dma_start3A_358 = arith.constant 0 : i32
      %dma_start3A_359 = tpu.memref_slice %arg11[%dma_start3A_357, %dma_start3A_358] : memref<112x128xf32, #tpu.memory_space<vmem>> -> memref<112x128xf32, #tpu.memory_space<vmem>>
      tpu.enqueue_dma source(%dma_start3A_359 : memref<112x128xf32, #tpu.memory_space<vmem>>) target(%dma_start3A_356 : memref<112x128xf32, #tpu.memory_space<hbm>>) target_semaphore(%arg25 : memref<!tpu.dma_semaphore, #tpu.memory_space<semaphore_mem>>)
    } else {
    }
    %convert_element_type3A_167 = arith.extui %and3A_163 : i1 to i32
    %cond3A_168 = arith.constant 0 : i32
    %cond3A_169 = arith.cmpi ne, %convert_element_type3A_167, %cond3A_168 : i32
    scf.if %cond3A_169 {
      %dma_wait3A = arith.constant 0 : i32
      %dma_wait3A_341 = arith.constant 0 : i32
      %dma_wait3A_342 = tpu.memref_slice %arg11[%dma_wait3A, %dma_wait3A_341] : memref<112x128xf32, #tpu.memory_space<vmem>> -> memref<96x128xf32, #tpu.memory_space<vmem>>
      %dma_wait3A_343 = arith.constant 0 : i32
      %dma_wait3A_344 = tpu.memref_slice %arg5[%dma_wait3A_343] : memref<3136xi32, #tpu.memory_space<vmem>> -> memref<96xi32, #tpu.memory_space<vmem>>
      %dma_wait3A_345 = arith.constant 0 : i32
      %dma_wait3A_346 = arith.constant 0 : i32
      %dma_wait3A_347 = tpu.memref_slice %arg6[%dma_wait3A_345, %dma_wait3A_346] : memref<119x128xf32, #tpu.memory_space<vmem_shared>> -> memref<119x128xf32, #tpu.memory_space<vmem_shared>>
      tpu.wait_indirect_dma semaphore(%arg18 : memref<!tpu.dma_semaphore, #tpu.memory_space<semaphore_mem>>) src(%dma_wait3A_347 : memref<119x128xf32, #tpu.memory_space<vmem_shared>>) dst(%dma_wait3A_342 : memref<96x128xf32, #tpu.memory_space<vmem>>)
      %add3A_348 = arith.constant 2800 : i32
      %add3A_349 = arith.addi %mul3A_2, %add3A_348 : i32
      %dma_start3A_350 = arith.constant 0 : i32
      %dma_start3A_351 = arith.constant 0 : i32
      %dma_start3A_352 = tpu.memref_slice %arg11[%dma_start3A_350, %dma_start3A_351] : memref<112x128xf32, #tpu.memory_space<vmem>> -> memref<96x128xf32, #tpu.memory_space<vmem>>
      %dma_start3A_353 = arith.constant 0 : i32
      %dma_start3A_354 = tpu.memref_slice %arg4[%add3A_349, %dma_start3A_353] : memref<100000x128xf32, #tpu.memory_space<hbm>> -> memref<96x128xf32, #tpu.memory_space<hbm>>
      %dma_start3A_355 = arith.constant 0 : i32
      %dma_start3A_356 = tpu.memref_slice %arg4[%add3A_349, %dma_start3A_355] : memref<100000x128xf32, #tpu.memory_space<hbm>> -> memref<96x128xf32, #tpu.memory_space<hbm>>
      %dma_start3A_357 = arith.constant 0 : i32
      %dma_start3A_358 = arith.constant 0 : i32
      %dma_start3A_359 = tpu.memref_slice %arg11[%dma_start3A_357, %dma_start3A_358] : memref<112x128xf32, #tpu.memory_space<vmem>> -> memref<96x128xf32, #tpu.memory_space<vmem>>
      tpu.enqueue_dma source(%dma_start3A_359 : memref<96x128xf32, #tpu.memory_space<vmem>>) target(%dma_start3A_356 : memref<96x128xf32, #tpu.memory_space<hbm>>) target_semaphore(%arg25 : memref<!tpu.dma_semaphore, #tpu.memory_space<semaphore_mem>>)
    } else {
    }
    %add3A_170 = arith.constant 2912 : i32
    %add3A_171 = arith.addi %mul3A_2, %add3A_170 : i32
    %add3A_172 = arith.constant 112 : i32
    %add3A_173 = arith.addi %add3A_171, %add3A_172 : i32
    %le3A_174 = arith.constant 100000 : i32
    %le3A_175 = arith.cmpi sle, %add3A_173, %le3A_174 : i32
    %lt3A_176 = arith.constant 100000 : i32
    %lt3A_177 = arith.cmpi slt, %add3A_171, %lt3A_176 : i32
    %add3A_178 = arith.constant 112 : i32
    %add3A_179 = arith.addi %add3A_171, %add3A_178 : i32
    %gt3A_180 = arith.constant 100000 : i32
    %gt3A_181 = arith.cmpi sgt, %add3A_179, %gt3A_180 : i32
    %and3A_182 = arith.andi %lt3A_177, %gt3A_181 : i1
    %convert_element_type3A_183 = arith.extui %le3A_175 : i1 to i32
    %cond3A_184 = arith.constant 0 : i32
    %cond3A_185 = arith.cmpi ne, %convert_element_type3A_183, %cond3A_184 : i32
    scf.if %cond3A_185 {
      %dma_wait3A = arith.constant 0 : i32
      %dma_wait3A_341 = arith.constant 0 : i32
      %dma_wait3A_342 = tpu.memref_slice %arg12[%dma_wait3A, %dma_wait3A_341] : memref<112x128xf32, #tpu.memory_space<vmem>> -> memref<112x128xf32, #tpu.memory_space<vmem>>
      %dma_wait3A_343 = arith.constant 0 : i32
      %dma_wait3A_344 = tpu.memref_slice %arg5[%dma_wait3A_343] : memref<3136xi32, #tpu.memory_space<vmem>> -> memref<112xi32, #tpu.memory_space<vmem>>
      %dma_wait3A_345 = arith.constant 0 : i32
      %dma_wait3A_346 = arith.constant 0 : i32
      %dma_wait3A_347 = tpu.memref_slice %arg6[%dma_wait3A_345, %dma_wait3A_346] : memref<119x128xf32, #tpu.memory_space<vmem_shared>> -> memref<119x128xf32, #tpu.memory_space<vmem_shared>>
      tpu.wait_indirect_dma semaphore(%arg19 : memref<!tpu.dma_semaphore, #tpu.memory_space<semaphore_mem>>) src(%dma_wait3A_347 : memref<119x128xf32, #tpu.memory_space<vmem_shared>>) dst(%dma_wait3A_342 : memref<112x128xf32, #tpu.memory_space<vmem>>)
      %add3A_348 = arith.constant 2912 : i32
      %add3A_349 = arith.addi %mul3A_2, %add3A_348 : i32
      %dma_start3A_350 = arith.constant 0 : i32
      %dma_start3A_351 = arith.constant 0 : i32
      %dma_start3A_352 = tpu.memref_slice %arg12[%dma_start3A_350, %dma_start3A_351] : memref<112x128xf32, #tpu.memory_space<vmem>> -> memref<112x128xf32, #tpu.memory_space<vmem>>
      %dma_start3A_353 = arith.constant 0 : i32
      %dma_start3A_354 = tpu.memref_slice %arg4[%add3A_349, %dma_start3A_353] : memref<100000x128xf32, #tpu.memory_space<hbm>> -> memref<112x128xf32, #tpu.memory_space<hbm>>
      %dma_start3A_355 = arith.constant 0 : i32
      %dma_start3A_356 = tpu.memref_slice %arg4[%add3A_349, %dma_start3A_355] : memref<100000x128xf32, #tpu.memory_space<hbm>> -> memref<112x128xf32, #tpu.memory_space<hbm>>
      %dma_start3A_357 = arith.constant 0 : i32
      %dma_start3A_358 = arith.constant 0 : i32
      %dma_start3A_359 = tpu.memref_slice %arg12[%dma_start3A_357, %dma_start3A_358] : memref<112x128xf32, #tpu.memory_space<vmem>> -> memref<112x128xf32, #tpu.memory_space<vmem>>
      tpu.enqueue_dma source(%dma_start3A_359 : memref<112x128xf32, #tpu.memory_space<vmem>>) target(%dma_start3A_356 : memref<112x128xf32, #tpu.memory_space<hbm>>) target_semaphore(%arg26 : memref<!tpu.dma_semaphore, #tpu.memory_space<semaphore_mem>>)
    } else {
    }
    %convert_element_type3A_186 = arith.extui %and3A_182 : i1 to i32
    %cond3A_187 = arith.constant 0 : i32
    %cond3A_188 = arith.cmpi ne, %convert_element_type3A_186, %cond3A_187 : i32
    scf.if %cond3A_188 {
      %dma_wait3A = arith.constant 0 : i32
      %dma_wait3A_341 = arith.constant 0 : i32
      %dma_wait3A_342 = tpu.memref_slice %arg12[%dma_wait3A, %dma_wait3A_341] : memref<112x128xf32, #tpu.memory_space<vmem>> -> memref<96x128xf32, #tpu.memory_space<vmem>>
      %dma_wait3A_343 = arith.constant 0 : i32
      %dma_wait3A_344 = tpu.memref_slice %arg5[%dma_wait3A_343] : memref<3136xi32, #tpu.memory_space<vmem>> -> memref<96xi32, #tpu.memory_space<vmem>>
      %dma_wait3A_345 = arith.constant 0 : i32
      %dma_wait3A_346 = arith.constant 0 : i32
      %dma_wait3A_347 = tpu.memref_slice %arg6[%dma_wait3A_345, %dma_wait3A_346] : memref<119x128xf32, #tpu.memory_space<vmem_shared>> -> memref<119x128xf32, #tpu.memory_space<vmem_shared>>
      tpu.wait_indirect_dma semaphore(%arg19 : memref<!tpu.dma_semaphore, #tpu.memory_space<semaphore_mem>>) src(%dma_wait3A_347 : memref<119x128xf32, #tpu.memory_space<vmem_shared>>) dst(%dma_wait3A_342 : memref<96x128xf32, #tpu.memory_space<vmem>>)
      %add3A_348 = arith.constant 2912 : i32
      %add3A_349 = arith.addi %mul3A_2, %add3A_348 : i32
      %dma_start3A_350 = arith.constant 0 : i32
      %dma_start3A_351 = arith.constant 0 : i32
      %dma_start3A_352 = tpu.memref_slice %arg12[%dma_start3A_350, %dma_start3A_351] : memref<112x128xf32, #tpu.memory_space<vmem>> -> memref<96x128xf32, #tpu.memory_space<vmem>>
      %dma_start3A_353 = arith.constant 0 : i32
      %dma_start3A_354 = tpu.memref_slice %arg4[%add3A_349, %dma_start3A_353] : memref<100000x128xf32, #tpu.memory_space<hbm>> -> memref<96x128xf32, #tpu.memory_space<hbm>>
      %dma_start3A_355 = arith.constant 0 : i32
      %dma_start3A_356 = tpu.memref_slice %arg4[%add3A_349, %dma_start3A_355] : memref<100000x128xf32, #tpu.memory_space<hbm>> -> memref<96x128xf32, #tpu.memory_space<hbm>>
      %dma_start3A_357 = arith.constant 0 : i32
      %dma_start3A_358 = arith.constant 0 : i32
      %dma_start3A_359 = tpu.memref_slice %arg12[%dma_start3A_357, %dma_start3A_358] : memref<112x128xf32, #tpu.memory_space<vmem>> -> memref<96x128xf32, #tpu.memory_space<vmem>>
      tpu.enqueue_dma source(%dma_start3A_359 : memref<96x128xf32, #tpu.memory_space<vmem>>) target(%dma_start3A_356 : memref<96x128xf32, #tpu.memory_space<hbm>>) target_semaphore(%arg26 : memref<!tpu.dma_semaphore, #tpu.memory_space<semaphore_mem>>)
    } else {
    }
    %add3A_189 = arith.constant 3024 : i32
    %add3A_190 = arith.addi %mul3A_2, %add3A_189 : i32
    %add3A_191 = arith.constant 112 : i32
    %add3A_192 = arith.addi %add3A_190, %add3A_191 : i32
    %le3A_193 = arith.constant 100000 : i32
    %le3A_194 = arith.cmpi sle, %add3A_192, %le3A_193 : i32
    %lt3A_195 = arith.constant 100000 : i32
    %lt3A_196 = arith.cmpi slt, %add3A_190, %lt3A_195 : i32
    %add3A_197 = arith.constant 112 : i32
    %add3A_198 = arith.addi %add3A_190, %add3A_197 : i32
    %gt3A_199 = arith.constant 100000 : i32
    %gt3A_200 = arith.cmpi sgt, %add3A_198, %gt3A_199 : i32
    %and3A_201 = arith.andi %lt3A_196, %gt3A_200 : i1
    %convert_element_type3A_202 = arith.extui %le3A_194 : i1 to i32
    %cond3A_203 = arith.constant 0 : i32
    %cond3A_204 = arith.cmpi ne, %convert_element_type3A_202, %cond3A_203 : i32
    scf.if %cond3A_204 {
      %dma_wait3A = arith.constant 0 : i32
      %dma_wait3A_341 = arith.constant 0 : i32
      %dma_wait3A_342 = tpu.memref_slice %arg13[%dma_wait3A, %dma_wait3A_341] : memref<112x128xf32, #tpu.memory_space<vmem>> -> memref<112x128xf32, #tpu.memory_space<vmem>>
      %dma_wait3A_343 = arith.constant 0 : i32
      %dma_wait3A_344 = tpu.memref_slice %arg5[%dma_wait3A_343] : memref<3136xi32, #tpu.memory_space<vmem>> -> memref<112xi32, #tpu.memory_space<vmem>>
      %dma_wait3A_345 = arith.constant 0 : i32
      %dma_wait3A_346 = arith.constant 0 : i32
      %dma_wait3A_347 = tpu.memref_slice %arg6[%dma_wait3A_345, %dma_wait3A_346] : memref<119x128xf32, #tpu.memory_space<vmem_shared>> -> memref<119x128xf32, #tpu.memory_space<vmem_shared>>
      tpu.wait_indirect_dma semaphore(%arg20 : memref<!tpu.dma_semaphore, #tpu.memory_space<semaphore_mem>>) src(%dma_wait3A_347 : memref<119x128xf32, #tpu.memory_space<vmem_shared>>) dst(%dma_wait3A_342 : memref<112x128xf32, #tpu.memory_space<vmem>>)
      %add3A_348 = arith.constant 3024 : i32
      %add3A_349 = arith.addi %mul3A_2, %add3A_348 : i32
      %dma_start3A_350 = arith.constant 0 : i32
      %dma_start3A_351 = arith.constant 0 : i32
      %dma_start3A_352 = tpu.memref_slice %arg13[%dma_start3A_350, %dma_start3A_351] : memref<112x128xf32, #tpu.memory_space<vmem>> -> memref<112x128xf32, #tpu.memory_space<vmem>>
      %dma_start3A_353 = arith.constant 0 : i32
      %dma_start3A_354 = tpu.memref_slice %arg4[%add3A_349, %dma_start3A_353] : memref<100000x128xf32, #tpu.memory_space<hbm>> -> memref<112x128xf32, #tpu.memory_space<hbm>>
      %dma_start3A_355 = arith.constant 0 : i32
      %dma_start3A_356 = tpu.memref_slice %arg4[%add3A_349, %dma_start3A_355] : memref<100000x128xf32, #tpu.memory_space<hbm>> -> memref<112x128xf32, #tpu.memory_space<hbm>>
      %dma_start3A_357 = arith.constant 0 : i32
      %dma_start3A_358 = arith.constant 0 : i32
      %dma_start3A_359 = tpu.memref_slice %arg13[%dma_start3A_357, %dma_start3A_358] : memref<112x128xf32, #tpu.memory_space<vmem>> -> memref<112x128xf32, #tpu.memory_space<vmem>>
      tpu.enqueue_dma source(%dma_start3A_359 : memref<112x128xf32, #tpu.memory_space<vmem>>) target(%dma_start3A_356 : memref<112x128xf32, #tpu.memory_space<hbm>>) target_semaphore(%arg27 : memref<!tpu.dma_semaphore, #tpu.memory_space<semaphore_mem>>)
    } else {
    }
    %convert_element_type3A_205 = arith.extui %and3A_201 : i1 to i32
    %cond3A_206 = arith.constant 0 : i32
    %cond3A_207 = arith.cmpi ne, %convert_element_type3A_205, %cond3A_206 : i32
    scf.if %cond3A_207 {
      %dma_wait3A = arith.constant 0 : i32
      %dma_wait3A_341 = arith.constant 0 : i32
      %dma_wait3A_342 = tpu.memref_slice %arg13[%dma_wait3A, %dma_wait3A_341] : memref<112x128xf32, #tpu.memory_space<vmem>> -> memref<96x128xf32, #tpu.memory_space<vmem>>
      %dma_wait3A_343 = arith.constant 0 : i32
      %dma_wait3A_344 = tpu.memref_slice %arg5[%dma_wait3A_343] : memref<3136xi32, #tpu.memory_space<vmem>> -> memref<96xi32, #tpu.memory_space<vmem>>
      %dma_wait3A_345 = arith.constant 0 : i32
      %dma_wait3A_346 = arith.constant 0 : i32
      %dma_wait3A_347 = tpu.memref_slice %arg6[%dma_wait3A_345, %dma_wait3A_346] : memref<119x128xf32, #tpu.memory_space<vmem_shared>> -> memref<119x128xf32, #tpu.memory_space<vmem_shared>>
      tpu.wait_indirect_dma semaphore(%arg20 : memref<!tpu.dma_semaphore, #tpu.memory_space<semaphore_mem>>) src(%dma_wait3A_347 : memref<119x128xf32, #tpu.memory_space<vmem_shared>>) dst(%dma_wait3A_342 : memref<96x128xf32, #tpu.memory_space<vmem>>)
      %add3A_348 = arith.constant 3024 : i32
      %add3A_349 = arith.addi %mul3A_2, %add3A_348 : i32
      %dma_start3A_350 = arith.constant 0 : i32
      %dma_start3A_351 = arith.constant 0 : i32
      %dma_start3A_352 = tpu.memref_slice %arg13[%dma_start3A_350, %dma_start3A_351] : memref<112x128xf32, #tpu.memory_space<vmem>> -> memref<96x128xf32, #tpu.memory_space<vmem>>
      %dma_start3A_353 = arith.constant 0 : i32
      %dma_start3A_354 = tpu.memref_slice %arg4[%add3A_349, %dma_start3A_353] : memref<100000x128xf32, #tpu.memory_space<hbm>> -> memref<96x128xf32, #tpu.memory_space<hbm>>
      %dma_start3A_355 = arith.constant 0 : i32
      %dma_start3A_356 = tpu.memref_slice %arg4[%add3A_349, %dma_start3A_355] : memref<100000x128xf32, #tpu.memory_space<hbm>> -> memref<96x128xf32, #tpu.memory_space<hbm>>
      %dma_start3A_357 = arith.constant 0 : i32
      %dma_start3A_358 = arith.constant 0 : i32
      %dma_start3A_359 = tpu.memref_slice %arg13[%dma_start3A_357, %dma_start3A_358] : memref<112x128xf32, #tpu.memory_space<vmem>> -> memref<96x128xf32, #tpu.memory_space<vmem>>
      tpu.enqueue_dma source(%dma_start3A_359 : memref<96x128xf32, #tpu.memory_space<vmem>>) target(%dma_start3A_356 : memref<96x128xf32, #tpu.memory_space<hbm>>) target_semaphore(%arg27 : memref<!tpu.dma_semaphore, #tpu.memory_space<semaphore_mem>>)
    } else {
    }
    %add3A_208 = arith.constant 2352 : i32
    %add3A_209 = arith.addi %mul3A_2, %add3A_208 : i32
    %add3A_210 = arith.constant 112 : i32
    %add3A_211 = arith.addi %add3A_209, %add3A_210 : i32
    %le3A_212 = arith.constant 100000 : i32
    %le3A_213 = arith.cmpi sle, %add3A_211, %le3A_212 : i32
    %lt3A_214 = arith.constant 100000 : i32
    %lt3A_215 = arith.cmpi slt, %add3A_209, %lt3A_214 : i32
    %add3A_216 = arith.constant 112 : i32
    %add3A_217 = arith.addi %add3A_209, %add3A_216 : i32
    %gt3A_218 = arith.constant 100000 : i32
    %gt3A_219 = arith.cmpi sgt, %add3A_217, %gt3A_218 : i32
    %and3A_220 = arith.andi %lt3A_215, %gt3A_219 : i1
    %convert_element_type3A_221 = arith.extui %le3A_213 : i1 to i32
    %cond3A_222 = arith.constant 0 : i32
    %cond3A_223 = arith.cmpi ne, %convert_element_type3A_221, %cond3A_222 : i32
    scf.if %cond3A_223 {
      %dma_wait3A = arith.constant 0 : i32
      %dma_wait3A_341 = arith.constant 0 : i32
      %dma_wait3A_342 = tpu.memref_slice %arg7[%dma_wait3A, %dma_wait3A_341] : memref<112x128xf32, #tpu.memory_space<vmem>> -> memref<112x128xf32, #tpu.memory_space<vmem>>
      %dma_wait3A_343 = arith.constant 0 : i32
      %dma_wait3A_344 = arith.constant 0 : i32
      %dma_wait3A_345 = tpu.memref_slice %arg4[%dma_wait3A_343, %dma_wait3A_344] : memref<100000x128xf32, #tpu.memory_space<hbm>> -> memref<112x128xf32, #tpu.memory_space<hbm>>
      %dma_wait3A_346 = arith.constant 0 : i32
      %dma_wait3A_347 = arith.constant 0 : i32
      %dma_wait3A_348 = tpu.memref_slice %arg4[%dma_wait3A_346, %dma_wait3A_347] : memref<100000x128xf32, #tpu.memory_space<hbm>> -> memref<112x128xf32, #tpu.memory_space<hbm>>
      %dma_wait3A_349 = arith.constant 0 : i32
      %dma_wait3A_350 = arith.constant 0 : i32
      %dma_wait3A_351 = tpu.memref_slice %arg7[%dma_wait3A_349, %dma_wait3A_350] : memref<112x128xf32, #tpu.memory_space<vmem>> -> memref<112x128xf32, #tpu.memory_space<vmem>>
      tpu.wait_dma2 semaphore(%arg21 : memref<!tpu.dma_semaphore, #tpu.memory_space<semaphore_mem>>) src(%dma_wait3A_351 : memref<112x128xf32, #tpu.memory_space<vmem>>) dst(%dma_wait3A_348 : memref<112x128xf32, #tpu.memory_space<hbm>>)
    } else {
    }
    %convert_element_type3A_224 = arith.extui %and3A_220 : i1 to i32
    %cond3A_225 = arith.constant 0 : i32
    %cond3A_226 = arith.cmpi ne, %convert_element_type3A_224, %cond3A_225 : i32
    scf.if %cond3A_226 {
      %dma_wait3A = arith.constant 0 : i32
      %dma_wait3A_341 = arith.constant 0 : i32
      %dma_wait3A_342 = tpu.memref_slice %arg7[%dma_wait3A, %dma_wait3A_341] : memref<112x128xf32, #tpu.memory_space<vmem>> -> memref<96x128xf32, #tpu.memory_space<vmem>>
      %dma_wait3A_343 = arith.constant 0 : i32
      %dma_wait3A_344 = arith.constant 0 : i32
      %dma_wait3A_345 = tpu.memref_slice %arg4[%dma_wait3A_343, %dma_wait3A_344] : memref<100000x128xf32, #tpu.memory_space<hbm>> -> memref<96x128xf32, #tpu.memory_space<hbm>>
      %dma_wait3A_346 = arith.constant 0 : i32
      %dma_wait3A_347 = arith.constant 0 : i32
      %dma_wait3A_348 = tpu.memref_slice %arg4[%dma_wait3A_346, %dma_wait3A_347] : memref<100000x128xf32, #tpu.memory_space<hbm>> -> memref<96x128xf32, #tpu.memory_space<hbm>>
      %dma_wait3A_349 = arith.constant 0 : i32
      %dma_wait3A_350 = arith.constant 0 : i32
      %dma_wait3A_351 = tpu.memref_slice %arg7[%dma_wait3A_349, %dma_wait3A_350] : memref<112x128xf32, #tpu.memory_space<vmem>> -> memref<96x128xf32, #tpu.memory_space<vmem>>
      tpu.wait_dma2 semaphore(%arg21 : memref<!tpu.dma_semaphore, #tpu.memory_space<semaphore_mem>>) src(%dma_wait3A_351 : memref<96x128xf32, #tpu.memory_space<vmem>>) dst(%dma_wait3A_348 : memref<96x128xf32, #tpu.memory_space<hbm>>)
    } else {
    }
    %add3A_227 = arith.constant 2464 : i32
    %add3A_228 = arith.addi %mul3A_2, %add3A_227 : i32
    %add3A_229 = arith.constant 112 : i32
    %add3A_230 = arith.addi %add3A_228, %add3A_229 : i32
    %le3A_231 = arith.constant 100000 : i32
    %le3A_232 = arith.cmpi sle, %add3A_230, %le3A_231 : i32
    %lt3A_233 = arith.constant 100000 : i32
    %lt3A_234 = arith.cmpi slt, %add3A_228, %lt3A_233 : i32
    %add3A_235 = arith.constant 112 : i32
    %add3A_236 = arith.addi %add3A_228, %add3A_235 : i32
    %gt3A_237 = arith.constant 100000 : i32
    %gt3A_238 = arith.cmpi sgt, %add3A_236, %gt3A_237 : i32
    %and3A_239 = arith.andi %lt3A_234, %gt3A_238 : i1
    %convert_element_type3A_240 = arith.extui %le3A_232 : i1 to i32
    %cond3A_241 = arith.constant 0 : i32
    %cond3A_242 = arith.cmpi ne, %convert_element_type3A_240, %cond3A_241 : i32
    scf.if %cond3A_242 {
      %dma_wait3A = arith.constant 0 : i32
      %dma_wait3A_341 = arith.constant 0 : i32
      %dma_wait3A_342 = tpu.memref_slice %arg8[%dma_wait3A, %dma_wait3A_341] : memref<112x128xf32, #tpu.memory_space<vmem>> -> memref<112x128xf32, #tpu.memory_space<vmem>>
      %dma_wait3A_343 = arith.constant 0 : i32
      %dma_wait3A_344 = arith.constant 0 : i32
      %dma_wait3A_345 = tpu.memref_slice %arg4[%dma_wait3A_343, %dma_wait3A_344] : memref<100000x128xf32, #tpu.memory_space<hbm>> -> memref<112x128xf32, #tpu.memory_space<hbm>>
      %dma_wait3A_346 = arith.constant 0 : i32
      %dma_wait3A_347 = arith.constant 0 : i32
      %dma_wait3A_348 = tpu.memref_slice %arg4[%dma_wait3A_346, %dma_wait3A_347] : memref<100000x128xf32, #tpu.memory_space<hbm>> -> memref<112x128xf32, #tpu.memory_space<hbm>>
      %dma_wait3A_349 = arith.constant 0 : i32
      %dma_wait3A_350 = arith.constant 0 : i32
      %dma_wait3A_351 = tpu.memref_slice %arg8[%dma_wait3A_349, %dma_wait3A_350] : memref<112x128xf32, #tpu.memory_space<vmem>> -> memref<112x128xf32, #tpu.memory_space<vmem>>
      tpu.wait_dma2 semaphore(%arg22 : memref<!tpu.dma_semaphore, #tpu.memory_space<semaphore_mem>>) src(%dma_wait3A_351 : memref<112x128xf32, #tpu.memory_space<vmem>>) dst(%dma_wait3A_348 : memref<112x128xf32, #tpu.memory_space<hbm>>)
    } else {
    }
    %convert_element_type3A_243 = arith.extui %and3A_239 : i1 to i32
    %cond3A_244 = arith.constant 0 : i32
    %cond3A_245 = arith.cmpi ne, %convert_element_type3A_243, %cond3A_244 : i32
    scf.if %cond3A_245 {
      %dma_wait3A = arith.constant 0 : i32
      %dma_wait3A_341 = arith.constant 0 : i32
      %dma_wait3A_342 = tpu.memref_slice %arg8[%dma_wait3A, %dma_wait3A_341] : memref<112x128xf32, #tpu.memory_space<vmem>> -> memref<96x128xf32, #tpu.memory_space<vmem>>
      %dma_wait3A_343 = arith.constant 0 : i32
      %dma_wait3A_344 = arith.constant 0 : i32
      %dma_wait3A_345 = tpu.memref_slice %arg4[%dma_wait3A_343, %dma_wait3A_344] : memref<100000x128xf32, #tpu.memory_space<hbm>> -> memref<96x128xf32, #tpu.memory_space<hbm>>
      %dma_wait3A_346 = arith.constant 0 : i32
      %dma_wait3A_347 = arith.constant 0 : i32
      %dma_wait3A_348 = tpu.memref_slice %arg4[%dma_wait3A_346, %dma_wait3A_347] : memref<100000x128xf32, #tpu.memory_space<hbm>> -> memref<96x128xf32, #tpu.memory_space<hbm>>
      %dma_wait3A_349 = arith.constant 0 : i32
      %dma_wait3A_350 = arith.constant 0 : i32
      %dma_wait3A_351 = tpu.memref_slice %arg8[%dma_wait3A_349, %dma_wait3A_350] : memref<112x128xf32, #tpu.memory_space<vmem>> -> memref<96x128xf32, #tpu.memory_space<vmem>>
      tpu.wait_dma2 semaphore(%arg22 : memref<!tpu.dma_semaphore, #tpu.memory_space<semaphore_mem>>) src(%dma_wait3A_351 : memref<96x128xf32, #tpu.memory_space<vmem>>) dst(%dma_wait3A_348 : memref<96x128xf32, #tpu.memory_space<hbm>>)
    } else {
    }
    %add3A_246 = arith.constant 2576 : i32
    %add3A_247 = arith.addi %mul3A_2, %add3A_246 : i32
    %add3A_248 = arith.constant 112 : i32
    %add3A_249 = arith.addi %add3A_247, %add3A_248 : i32
    %le3A_250 = arith.constant 100000 : i32
    %le3A_251 = arith.cmpi sle, %add3A_249, %le3A_250 : i32
    %lt3A_252 = arith.constant 100000 : i32
    %lt3A_253 = arith.cmpi slt, %add3A_247, %lt3A_252 : i32
    %add3A_254 = arith.constant 112 : i32
    %add3A_255 = arith.addi %add3A_247, %add3A_254 : i32
    %gt3A_256 = arith.constant 100000 : i32
    %gt3A_257 = arith.cmpi sgt, %add3A_255, %gt3A_256 : i32
    %and3A_258 = arith.andi %lt3A_253, %gt3A_257 : i1
    %convert_element_type3A_259 = arith.extui %le3A_251 : i1 to i32
    %cond3A_260 = arith.constant 0 : i32
    %cond3A_261 = arith.cmpi ne, %convert_element_type3A_259, %cond3A_260 : i32
    scf.if %cond3A_261 {
      %dma_wait3A = arith.constant 0 : i32
      %dma_wait3A_341 = arith.constant 0 : i32
      %dma_wait3A_342 = tpu.memref_slice %arg9[%dma_wait3A, %dma_wait3A_341] : memref<112x128xf32, #tpu.memory_space<vmem>> -> memref<112x128xf32, #tpu.memory_space<vmem>>
      %dma_wait3A_343 = arith.constant 0 : i32
      %dma_wait3A_344 = arith.constant 0 : i32
      %dma_wait3A_345 = tpu.memref_slice %arg4[%dma_wait3A_343, %dma_wait3A_344] : memref<100000x128xf32, #tpu.memory_space<hbm>> -> memref<112x128xf32, #tpu.memory_space<hbm>>
      %dma_wait3A_346 = arith.constant 0 : i32
      %dma_wait3A_347 = arith.constant 0 : i32
      %dma_wait3A_348 = tpu.memref_slice %arg4[%dma_wait3A_346, %dma_wait3A_347] : memref<100000x128xf32, #tpu.memory_space<hbm>> -> memref<112x128xf32, #tpu.memory_space<hbm>>
      %dma_wait3A_349 = arith.constant 0 : i32
      %dma_wait3A_350 = arith.constant 0 : i32
      %dma_wait3A_351 = tpu.memref_slice %arg9[%dma_wait3A_349, %dma_wait3A_350] : memref<112x128xf32, #tpu.memory_space<vmem>> -> memref<112x128xf32, #tpu.memory_space<vmem>>
      tpu.wait_dma2 semaphore(%arg23 : memref<!tpu.dma_semaphore, #tpu.memory_space<semaphore_mem>>) src(%dma_wait3A_351 : memref<112x128xf32, #tpu.memory_space<vmem>>) dst(%dma_wait3A_348 : memref<112x128xf32, #tpu.memory_space<hbm>>)
    } else {
    }
    %convert_element_type3A_262 = arith.extui %and3A_258 : i1 to i32
    %cond3A_263 = arith.constant 0 : i32
    %cond3A_264 = arith.cmpi ne, %convert_element_type3A_262, %cond3A_263 : i32
    scf.if %cond3A_264 {
      %dma_wait3A = arith.constant 0 : i32
      %dma_wait3A_341 = arith.constant 0 : i32
      %dma_wait3A_342 = tpu.memref_slice %arg9[%dma_wait3A, %dma_wait3A_341] : memref<112x128xf32, #tpu.memory_space<vmem>> -> memref<96x128xf32, #tpu.memory_space<vmem>>
      %dma_wait3A_343 = arith.constant 0 : i32
      %dma_wait3A_344 = arith.constant 0 : i32
      %dma_wait3A_345 = tpu.memref_slice %arg4[%dma_wait3A_343, %dma_wait3A_344] : memref<100000x128xf32, #tpu.memory_space<hbm>> -> memref<96x128xf32, #tpu.memory_space<hbm>>
      %dma_wait3A_346 = arith.constant 0 : i32
      %dma_wait3A_347 = arith.constant 0 : i32
      %dma_wait3A_348 = tpu.memref_slice %arg4[%dma_wait3A_346, %dma_wait3A_347] : memref<100000x128xf32, #tpu.memory_space<hbm>> -> memref<96x128xf32, #tpu.memory_space<hbm>>
      %dma_wait3A_349 = arith.constant 0 : i32
      %dma_wait3A_350 = arith.constant 0 : i32
      %dma_wait3A_351 = tpu.memref_slice %arg9[%dma_wait3A_349, %dma_wait3A_350] : memref<112x128xf32, #tpu.memory_space<vmem>> -> memref<96x128xf32, #tpu.memory_space<vmem>>
      tpu.wait_dma2 semaphore(%arg23 : memref<!tpu.dma_semaphore, #tpu.memory_space<semaphore_mem>>) src(%dma_wait3A_351 : memref<96x128xf32, #tpu.memory_space<vmem>>) dst(%dma_wait3A_348 : memref<96x128xf32, #tpu.memory_space<hbm>>)
    } else {
    }
    %add3A_265 = arith.constant 2688 : i32
    %add3A_266 = arith.addi %mul3A_2, %add3A_265 : i32
    %add3A_267 = arith.constant 112 : i32
    %add3A_268 = arith.addi %add3A_266, %add3A_267 : i32
    %le3A_269 = arith.constant 100000 : i32
    %le3A_270 = arith.cmpi sle, %add3A_268, %le3A_269 : i32
    %lt3A_271 = arith.constant 100000 : i32
    %lt3A_272 = arith.cmpi slt, %add3A_266, %lt3A_271 : i32
    %add3A_273 = arith.constant 112 : i32
    %add3A_274 = arith.addi %add3A_266, %add3A_273 : i32
    %gt3A_275 = arith.constant 100000 : i32
    %gt3A_276 = arith.cmpi sgt, %add3A_274, %gt3A_275 : i32
    %and3A_277 = arith.andi %lt3A_272, %gt3A_276 : i1
    %convert_element_type3A_278 = arith.extui %le3A_270 : i1 to i32
    %cond3A_279 = arith.constant 0 : i32
    %cond3A_280 = arith.cmpi ne, %convert_element_type3A_278, %cond3A_279 : i32
    scf.if %cond3A_280 {
      %dma_wait3A = arith.constant 0 : i32
      %dma_wait3A_341 = arith.constant 0 : i32
      %dma_wait3A_342 = tpu.memref_slice %arg10[%dma_wait3A, %dma_wait3A_341] : memref<112x128xf32, #tpu.memory_space<vmem>> -> memref<112x128xf32, #tpu.memory_space<vmem>>
      %dma_wait3A_343 = arith.constant 0 : i32
      %dma_wait3A_344 = arith.constant 0 : i32
      %dma_wait3A_345 = tpu.memref_slice %arg4[%dma_wait3A_343, %dma_wait3A_344] : memref<100000x128xf32, #tpu.memory_space<hbm>> -> memref<112x128xf32, #tpu.memory_space<hbm>>
      %dma_wait3A_346 = arith.constant 0 : i32
      %dma_wait3A_347 = arith.constant 0 : i32
      %dma_wait3A_348 = tpu.memref_slice %arg4[%dma_wait3A_346, %dma_wait3A_347] : memref<100000x128xf32, #tpu.memory_space<hbm>> -> memref<112x128xf32, #tpu.memory_space<hbm>>
      %dma_wait3A_349 = arith.constant 0 : i32
      %dma_wait3A_350 = arith.constant 0 : i32
      %dma_wait3A_351 = tpu.memref_slice %arg10[%dma_wait3A_349, %dma_wait3A_350] : memref<112x128xf32, #tpu.memory_space<vmem>> -> memref<112x128xf32, #tpu.memory_space<vmem>>
      tpu.wait_dma2 semaphore(%arg24 : memref<!tpu.dma_semaphore, #tpu.memory_space<semaphore_mem>>) src(%dma_wait3A_351 : memref<112x128xf32, #tpu.memory_space<vmem>>) dst(%dma_wait3A_348 : memref<112x128xf32, #tpu.memory_space<hbm>>)
    } else {
    }
    %convert_element_type3A_281 = arith.extui %and3A_277 : i1 to i32
    %cond3A_282 = arith.constant 0 : i32
    %cond3A_283 = arith.cmpi ne, %convert_element_type3A_281, %cond3A_282 : i32
    scf.if %cond3A_283 {
      %dma_wait3A = arith.constant 0 : i32
      %dma_wait3A_341 = arith.constant 0 : i32
      %dma_wait3A_342 = tpu.memref_slice %arg10[%dma_wait3A, %dma_wait3A_341] : memref<112x128xf32, #tpu.memory_space<vmem>> -> memref<96x128xf32, #tpu.memory_space<vmem>>
      %dma_wait3A_343 = arith.constant 0 : i32
      %dma_wait3A_344 = arith.constant 0 : i32
      %dma_wait3A_345 = tpu.memref_slice %arg4[%dma_wait3A_343, %dma_wait3A_344] : memref<100000x128xf32, #tpu.memory_space<hbm>> -> memref<96x128xf32, #tpu.memory_space<hbm>>
      %dma_wait3A_346 = arith.constant 0 : i32
      %dma_wait3A_347 = arith.constant 0 : i32
      %dma_wait3A_348 = tpu.memref_slice %arg4[%dma_wait3A_346, %dma_wait3A_347] : memref<100000x128xf32, #tpu.memory_space<hbm>> -> memref<96x128xf32, #tpu.memory_space<hbm>>
      %dma_wait3A_349 = arith.constant 0 : i32
      %dma_wait3A_350 = arith.constant 0 : i32
      %dma_wait3A_351 = tpu.memref_slice %arg10[%dma_wait3A_349, %dma_wait3A_350] : memref<112x128xf32, #tpu.memory_space<vmem>> -> memref<96x128xf32, #tpu.memory_space<vmem>>
      tpu.wait_dma2 semaphore(%arg24 : memref<!tpu.dma_semaphore, #tpu.memory_space<semaphore_mem>>) src(%dma_wait3A_351 : memref<96x128xf32, #tpu.memory_space<vmem>>) dst(%dma_wait3A_348 : memref<96x128xf32, #tpu.memory_space<hbm>>)
    } else {
    }
    %add3A_284 = arith.constant 2800 : i32
    %add3A_285 = arith.addi %mul3A_2, %add3A_284 : i32
    %add3A_286 = arith.constant 112 : i32
    %add3A_287 = arith.addi %add3A_285, %add3A_286 : i32
    %le3A_288 = arith.constant 100000 : i32
    %le3A_289 = arith.cmpi sle, %add3A_287, %le3A_288 : i32
    %lt3A_290 = arith.constant 100000 : i32
    %lt3A_291 = arith.cmpi slt, %add3A_285, %lt3A_290 : i32
    %add3A_292 = arith.constant 112 : i32
    %add3A_293 = arith.addi %add3A_285, %add3A_292 : i32
    %gt3A_294 = arith.constant 100000 : i32
    %gt3A_295 = arith.cmpi sgt, %add3A_293, %gt3A_294 : i32
    %and3A_296 = arith.andi %lt3A_291, %gt3A_295 : i1
    %convert_element_type3A_297 = arith.extui %le3A_289 : i1 to i32
    %cond3A_298 = arith.constant 0 : i32
    %cond3A_299 = arith.cmpi ne, %convert_element_type3A_297, %cond3A_298 : i32
    scf.if %cond3A_299 {
      %dma_wait3A = arith.constant 0 : i32
      %dma_wait3A_341 = arith.constant 0 : i32
      %dma_wait3A_342 = tpu.memref_slice %arg11[%dma_wait3A, %dma_wait3A_341] : memref<112x128xf32, #tpu.memory_space<vmem>> -> memref<112x128xf32, #tpu.memory_space<vmem>>
      %dma_wait3A_343 = arith.constant 0 : i32
      %dma_wait3A_344 = arith.constant 0 : i32
      %dma_wait3A_345 = tpu.memref_slice %arg4[%dma_wait3A_343, %dma_wait3A_344] : memref<100000x128xf32, #tpu.memory_space<hbm>> -> memref<112x128xf32, #tpu.memory_space<hbm>>
      %dma_wait3A_346 = arith.constant 0 : i32
      %dma_wait3A_347 = arith.constant 0 : i32
      %dma_wait3A_348 = tpu.memref_slice %arg4[%dma_wait3A_346, %dma_wait3A_347] : memref<100000x128xf32, #tpu.memory_space<hbm>> -> memref<112x128xf32, #tpu.memory_space<hbm>>
      %dma_wait3A_349 = arith.constant 0 : i32
      %dma_wait3A_350 = arith.constant 0 : i32
      %dma_wait3A_351 = tpu.memref_slice %arg11[%dma_wait3A_349, %dma_wait3A_350] : memref<112x128xf32, #tpu.memory_space<vmem>> -> memref<112x128xf32, #tpu.memory_space<vmem>>
      tpu.wait_dma2 semaphore(%arg25 : memref<!tpu.dma_semaphore, #tpu.memory_space<semaphore_mem>>) src(%dma_wait3A_351 : memref<112x128xf32, #tpu.memory_space<vmem>>) dst(%dma_wait3A_348 : memref<112x128xf32, #tpu.memory_space<hbm>>)
    } else {
    }
    %convert_element_type3A_300 = arith.extui %and3A_296 : i1 to i32
    %cond3A_301 = arith.constant 0 : i32
    %cond3A_302 = arith.cmpi ne, %convert_element_type3A_300, %cond3A_301 : i32
    scf.if %cond3A_302 {
      %dma_wait3A = arith.constant 0 : i32
      %dma_wait3A_341 = arith.constant 0 : i32
      %dma_wait3A_342 = tpu.memref_slice %arg11[%dma_wait3A, %dma_wait3A_341] : memref<112x128xf32, #tpu.memory_space<vmem>> -> memref<96x128xf32, #tpu.memory_space<vmem>>
      %dma_wait3A_343 = arith.constant 0 : i32
      %dma_wait3A_344 = arith.constant 0 : i32
      %dma_wait3A_345 = tpu.memref_slice %arg4[%dma_wait3A_343, %dma_wait3A_344] : memref<100000x128xf32, #tpu.memory_space<hbm>> -> memref<96x128xf32, #tpu.memory_space<hbm>>
      %dma_wait3A_346 = arith.constant 0 : i32
      %dma_wait3A_347 = arith.constant 0 : i32
      %dma_wait3A_348 = tpu.memref_slice %arg4[%dma_wait3A_346, %dma_wait3A_347] : memref<100000x128xf32, #tpu.memory_space<hbm>> -> memref<96x128xf32, #tpu.memory_space<hbm>>
      %dma_wait3A_349 = arith.constant 0 : i32
      %dma_wait3A_350 = arith.constant 0 : i32
      %dma_wait3A_351 = tpu.memref_slice %arg11[%dma_wait3A_349, %dma_wait3A_350] : memref<112x128xf32, #tpu.memory_space<vmem>> -> memref<96x128xf32, #tpu.memory_space<vmem>>
      tpu.wait_dma2 semaphore(%arg25 : memref<!tpu.dma_semaphore, #tpu.memory_space<semaphore_mem>>) src(%dma_wait3A_351 : memref<96x128xf32, #tpu.memory_space<vmem>>) dst(%dma_wait3A_348 : memref<96x128xf32, #tpu.memory_space<hbm>>)
    } else {
    }
    %add3A_303 = arith.constant 2912 : i32
    %add3A_304 = arith.addi %mul3A_2, %add3A_303 : i32
    %add3A_305 = arith.constant 112 : i32
    %add3A_306 = arith.addi %add3A_304, %add3A_305 : i32
    %le3A_307 = arith.constant 100000 : i32
    %le3A_308 = arith.cmpi sle, %add3A_306, %le3A_307 : i32
    %lt3A_309 = arith.constant 100000 : i32
    %lt3A_310 = arith.cmpi slt, %add3A_304, %lt3A_309 : i32
    %add3A_311 = arith.constant 112 : i32
    %add3A_312 = arith.addi %add3A_304, %add3A_311 : i32
    %gt3A_313 = arith.constant 100000 : i32
    %gt3A_314 = arith.cmpi sgt, %add3A_312, %gt3A_313 : i32
    %and3A_315 = arith.andi %lt3A_310, %gt3A_314 : i1
    %convert_element_type3A_316 = arith.extui %le3A_308 : i1 to i32
    %cond3A_317 = arith.constant 0 : i32
    %cond3A_318 = arith.cmpi ne, %convert_element_type3A_316, %cond3A_317 : i32
    scf.if %cond3A_318 {
      %dma_wait3A = arith.constant 0 : i32
      %dma_wait3A_341 = arith.constant 0 : i32
      %dma_wait3A_342 = tpu.memref_slice %arg12[%dma_wait3A, %dma_wait3A_341] : memref<112x128xf32, #tpu.memory_space<vmem>> -> memref<112x128xf32, #tpu.memory_space<vmem>>
      %dma_wait3A_343 = arith.constant 0 : i32
      %dma_wait3A_344 = arith.constant 0 : i32
      %dma_wait3A_345 = tpu.memref_slice %arg4[%dma_wait3A_343, %dma_wait3A_344] : memref<100000x128xf32, #tpu.memory_space<hbm>> -> memref<112x128xf32, #tpu.memory_space<hbm>>
      %dma_wait3A_346 = arith.constant 0 : i32
      %dma_wait3A_347 = arith.constant 0 : i32
      %dma_wait3A_348 = tpu.memref_slice %arg4[%dma_wait3A_346, %dma_wait3A_347] : memref<100000x128xf32, #tpu.memory_space<hbm>> -> memref<112x128xf32, #tpu.memory_space<hbm>>
      %dma_wait3A_349 = arith.constant 0 : i32
      %dma_wait3A_350 = arith.constant 0 : i32
      %dma_wait3A_351 = tpu.memref_slice %arg12[%dma_wait3A_349, %dma_wait3A_350] : memref<112x128xf32, #tpu.memory_space<vmem>> -> memref<112x128xf32, #tpu.memory_space<vmem>>
      tpu.wait_dma2 semaphore(%arg26 : memref<!tpu.dma_semaphore, #tpu.memory_space<semaphore_mem>>) src(%dma_wait3A_351 : memref<112x128xf32, #tpu.memory_space<vmem>>) dst(%dma_wait3A_348 : memref<112x128xf32, #tpu.memory_space<hbm>>)
    } else {
    }
    %convert_element_type3A_319 = arith.extui %and3A_315 : i1 to i32
    %cond3A_320 = arith.constant 0 : i32
    %cond3A_321 = arith.cmpi ne, %convert_element_type3A_319, %cond3A_320 : i32
    scf.if %cond3A_321 {
      %dma_wait3A = arith.constant 0 : i32
      %dma_wait3A_341 = arith.constant 0 : i32
      %dma_wait3A_342 = tpu.memref_slice %arg12[%dma_wait3A, %dma_wait3A_341] : memref<112x128xf32, #tpu.memory_space<vmem>> -> memref<96x128xf32, #tpu.memory_space<vmem>>
      %dma_wait3A_343 = arith.constant 0 : i32
      %dma_wait3A_344 = arith.constant 0 : i32
      %dma_wait3A_345 = tpu.memref_slice %arg4[%dma_wait3A_343, %dma_wait3A_344] : memref<100000x128xf32, #tpu.memory_space<hbm>> -> memref<96x128xf32, #tpu.memory_space<hbm>>
      %dma_wait3A_346 = arith.constant 0 : i32
      %dma_wait3A_347 = arith.constant 0 : i32
      %dma_wait3A_348 = tpu.memref_slice %arg4[%dma_wait3A_346, %dma_wait3A_347] : memref<100000x128xf32, #tpu.memory_space<hbm>> -> memref<96x128xf32, #tpu.memory_space<hbm>>
      %dma_wait3A_349 = arith.constant 0 : i32
      %dma_wait3A_350 = arith.constant 0 : i32
      %dma_wait3A_351 = tpu.memref_slice %arg12[%dma_wait3A_349, %dma_wait3A_350] : memref<112x128xf32, #tpu.memory_space<vmem>> -> memref<96x128xf32, #tpu.memory_space<vmem>>
      tpu.wait_dma2 semaphore(%arg26 : memref<!tpu.dma_semaphore, #tpu.memory_space<semaphore_mem>>) src(%dma_wait3A_351 : memref<96x128xf32, #tpu.memory_space<vmem>>) dst(%dma_wait3A_348 : memref<96x128xf32, #tpu.memory_space<hbm>>)
    } else {
    }
    %add3A_322 = arith.constant 3024 : i32
    %add3A_323 = arith.addi %mul3A_2, %add3A_322 : i32
    %add3A_324 = arith.constant 112 : i32
    %add3A_325 = arith.addi %add3A_323, %add3A_324 : i32
    %le3A_326 = arith.constant 100000 : i32
    %le3A_327 = arith.cmpi sle, %add3A_325, %le3A_326 : i32
    %lt3A_328 = arith.constant 100000 : i32
    %lt3A_329 = arith.cmpi slt, %add3A_323, %lt3A_328 : i32
    %add3A_330 = arith.constant 112 : i32
    %add3A_331 = arith.addi %add3A_323, %add3A_330 : i32
    %gt3A_332 = arith.constant 100000 : i32
    %gt3A_333 = arith.cmpi sgt, %add3A_331, %gt3A_332 : i32
    %and3A_334 = arith.andi %lt3A_329, %gt3A_333 : i1
    %convert_element_type3A_335 = arith.extui %le3A_327 : i1 to i32
    %cond3A_336 = arith.constant 0 : i32
    %cond3A_337 = arith.cmpi ne, %convert_element_type3A_335, %cond3A_336 : i32
    scf.if %cond3A_337 {
      %dma_wait3A = arith.constant 0 : i32
      %dma_wait3A_341 = arith.constant 0 : i32
      %dma_wait3A_342 = tpu.memref_slice %arg13[%dma_wait3A, %dma_wait3A_341] : memref<112x128xf32, #tpu.memory_space<vmem>> -> memref<112x128xf32, #tpu.memory_space<vmem>>
      %dma_wait3A_343 = arith.constant 0 : i32
      %dma_wait3A_344 = arith.constant 0 : i32
      %dma_wait3A_345 = tpu.memref_slice %arg4[%dma_wait3A_343, %dma_wait3A_344] : memref<100000x128xf32, #tpu.memory_space<hbm>> -> memref<112x128xf32, #tpu.memory_space<hbm>>
      %dma_wait3A_346 = arith.constant 0 : i32
      %dma_wait3A_347 = arith.constant 0 : i32
      %dma_wait3A_348 = tpu.memref_slice %arg4[%dma_wait3A_346, %dma_wait3A_347] : memref<100000x128xf32, #tpu.memory_space<hbm>> -> memref<112x128xf32, #tpu.memory_space<hbm>>
      %dma_wait3A_349 = arith.constant 0 : i32
      %dma_wait3A_350 = arith.constant 0 : i32
      %dma_wait3A_351 = tpu.memref_slice %arg13[%dma_wait3A_349, %dma_wait3A_350] : memref<112x128xf32, #tpu.memory_space<vmem>> -> memref<112x128xf32, #tpu.memory_space<vmem>>
      tpu.wait_dma2 semaphore(%arg27 : memref<!tpu.dma_semaphore, #tpu.memory_space<semaphore_mem>>) src(%dma_wait3A_351 : memref<112x128xf32, #tpu.memory_space<vmem>>) dst(%dma_wait3A_348 : memref<112x128xf32, #tpu.memory_space<hbm>>)
    } else {
    }
    %convert_element_type3A_338 = arith.extui %and3A_334 : i1 to i32
    %cond3A_339 = arith.constant 0 : i32
    %cond3A_340 = arith.cmpi ne, %convert_element_type3A_338, %cond3A_339 : i32
    scf.if %cond3A_340 {
      %dma_wait3A = arith.constant 0 : i32
      %dma_wait3A_341 = arith.constant 0 : i32
      %dma_wait3A_342 = tpu.memref_slice %arg13[%dma_wait3A, %dma_wait3A_341] : memref<112x128xf32, #tpu.memory_space<vmem>> -> memref<96x128xf32, #tpu.memory_space<vmem>>
      %dma_wait3A_343 = arith.constant 0 : i32
      %dma_wait3A_344 = arith.constant 0 : i32
      %dma_wait3A_345 = tpu.memref_slice %arg4[%dma_wait3A_343, %dma_wait3A_344] : memref<100000x128xf32, #tpu.memory_space<hbm>> -> memref<96x128xf32, #tpu.memory_space<hbm>>
      %dma_wait3A_346 = arith.constant 0 : i32
      %dma_wait3A_347 = arith.constant 0 : i32
      %dma_wait3A_348 = tpu.memref_slice %arg4[%dma_wait3A_346, %dma_wait3A_347] : memref<100000x128xf32, #tpu.memory_space<hbm>> -> memref<96x128xf32, #tpu.memory_space<hbm>>
      %dma_wait3A_349 = arith.constant 0 : i32
      %dma_wait3A_350 = arith.constant 0 : i32
      %dma_wait3A_351 = tpu.memref_slice %arg13[%dma_wait3A_349, %dma_wait3A_350] : memref<112x128xf32, #tpu.memory_space<vmem>> -> memref<96x128xf32, #tpu.memory_space<vmem>>
      tpu.wait_dma2 semaphore(%arg27 : memref<!tpu.dma_semaphore, #tpu.memory_space<semaphore_mem>>) src(%dma_wait3A_351 : memref<96x128xf32, #tpu.memory_space<vmem>>) dst(%dma_wait3A_348 : memref<96x128xf32, #tpu.memory_space<hbm>>)
    } else {
    }
    return
  }
}

</mosaic_0001>

<sc_bundles>
// kernel: kernel.3.cloned.1.call-start
scs
__scs_entry_jumppad:
0x0: {  	(pc) =	sbr.rel $0x88, $3  }
0x1: {  	(tag) =	ssettag $0x0;
	lr =	simm.s32 $0x1  }
0x2: {  	[smem:$0x3F9F] =	sst lr;
	_ =	strace $0xD0000000  }
0x3: {  	_ = 	snop  }
0x4: {  	_ = 	snop  }
0x5: {  	_ = 	snop  }
0x6: {  	_ = 	snop  }
0x7: {  	_ = 	snop  }
__scs_overlays_trampoline_lowered:
0x8: {  	[smem:$0x3FAE] =	sst s0  }
0x9: {  	[smem:$0x3FAF] =	sst s1  }
0xa: {  	[smem:$0x3FB0] =	sst s2  }
0xb: {  	[smem:$0x3FB1] =	sst s3  }
0xc: {  	[smem:$0x3FB2] =	sst s4  }
0xd: {  	[smem:$0x3FB3] =	sst s5  }
0xe: {  	[smem:$0x3FB4] =	sst s6  }
0xf: {  	[smem:$0x3FB5] =	sst s7  }
0x10: {  	[smem:$0x3FB6] =	sst s8  }
0x11: {  	[smem:$0x3FB7] =	sst s9;
	s0 =	simm.s32 @!p0 $0x0  }
0x12: {  	s1 =	sld [smem:$0x3F9D];
	s0 =	simm.s32 @p0 $0x1  }
0x13: {  	[smem:$0x3FB8] =	sst s0;
	s0 =	simm.s32 @!p1 $0x0  }
0x14: {  	s2 =	sld [smem:$0x3F9C];
	s0 =	simm.s32 @p1 $0x1  }
0x15: {  	[smem:$0x3FB9] =	sst s0;
	s0 =	simm.s32 @!p2 $0x0  }
0x16: {  	s3 =	sld [smem:$0x3FDB];
	s0 =	simm.s32 @p2 $0x1  }
0x17: {  	s4 =	simm.s32 $0x1BF5;
	[smem:$0x3FBB] =	sst s0  }
0x18: {  	s0 =	sld [smem:$0x3F9E];
	_ =	swait.ge [sflag:s4], $0x0  }
0x19: {  	s7 =	sld [smem:$0x3F9F]  }
0x1a: {  	s8 =	sadd.s32 $0xFFFFE003, lr  }
0x1b: {  	s9 =	sadd.s32 $0xFFFFFEF7, lr;
	s5 =	simm.s32 $0xFFFFFFFF;
	p2 =	slt.u32 s8, $0xFFFFF086  }
0x1c: {  	p1 =	slt.u32 s9, $0xF7A;
	s5 =	simm.s32 @!p2 $0x0  }
0x1d: {  	s5 =	simm.s32 @p1 $0x1;
	p0 =	seq.s32 s7, s2  }
0x1e: {  	s7 =	smul.u32 @!p0 $0xF7A, s2;
	p2 =	seq.s32 @!p0 s5, $0x0  }
0x1f: {  	s9 =	smul.u32 $0xF7A, s1;
	s8 =	simm.s32 @!p0 $0x1BF5;
	p2 =	por !p2, p0  }
0x20: {  	[sflag:s8] =	ssyncset.s32 @!p0 $0xFFFFF086;
	s6 =	sadd.s32 @!p0 s3, s7;
	s7 =	simm.s32 @!p0 $0x108  }
0x21: {  	s3 =	sadd.s32 s3, s9;
	s6 =	sadd.s32 @!p0 $0x88, s6;
	s7 =	simm.s32 @p2 $0x1082  }
0x22: {  	[simem:s7], [sflag:s8] =	dma.local @!p0 [hbm:s6], $0xF7A  }
0x23: {  	s9 =	sor.u32 $0xD0000000, s2;
	s6 =	simm.s32 $0x108;
	_ =	swait.ge @!p0 [sflag:s8], $0x0  }
0x24: {  	s3 =	sadd.s32 $0x88, s3;
	s6 =	simm.s32 @!p1 $0x1082;
	[sflag:s4] =	ssyncset.s32 $0xFFFFF086  }
0x25: {  	[simem:s6], [sflag:s4] =	dma.local [hbm:s3], $0xF7A  }
0x26: {  	[smem:$0x3F9F] =	sst s1;
	(tag) =	ssettag s2;
	_ =	strace s9  }
0x27: {  	s1 =	sld [smem:$0x3FAF]  }
0x28: {  	s2 =	sld [smem:$0x3FB0]  }
0x29: {  	s4 =	sld [smem:$0x3FB2]  }
0x2a: {  	p0 =	seq.s32 s5, $0x0;
	s5 =	sld [smem:$0x3FB3]  }
0x2b: {  	s6 =	sld [smem:$0x3FB4]  }
0x2c: {  	s7 =	sld [smem:$0x3FB5]  }
0x2d: {  	s3 =	simm.s32 $0x108;
	s8 =	sld [smem:$0x3FB6]  }
0x2e: {  	s3 =	simm.s32 @!p0 $0x1082;
	s9 =	sld [smem:$0x3FB7]  }
0x2f: {  	lr =	sadd.s32 s0, s3;
	s0 =	sld [smem:$0x3FAE]  }
0x30: {  	s3 =	sld [smem:$0x3FB1]  }
0x31: {  	[smem:$0x3FBA] =	sst s10  }
0x32: {  	s10 =	sld [smem:$0x3FB8];
	_ =	sdelay $0x3  }
0x33: {  	p0 =	seq.s32 s10, $0x1;
	s10 =	sld [smem:$0x3FBA];
	_ =	sdelay $0x3  }
0x34: {  	[smem:$0x3FBA] =	sst s10  }
0x35: {  	s10 =	sld [smem:$0x3FB9];
	_ =	sdelay $0x3  }
0x36: {  	p1 =	seq.s32 s10, $0x1;
	s10 =	sld [smem:$0x3FBA];
	_ =	sdelay $0x3  }
0x37: {  	[smem:$0x3FBA] =	sst s10  }
0x38: {  	s10 =	sld [smem:$0x3FBB]  }
0x39: {  	_ = 	snop;
	(pc) =	sbr.ind lr, $3  }
0x3a: {  	_ = 	snop  }
0x3b: {  	_ = 	snop  }
0x3c: {  	p2 =	seq.s32 s10, $0x1;
	s10 =	sld [smem:$0x3FBA]  }
0x3d: {  	_ =	shalt  }
0x3e: {  	_ =	shalt  }
0x3f: {  	_ =	shalt  }
0x40: {  	_ =	shalt  }
0x41: {  	_ =	shalt  }
0x42: {  	_ =	shalt  }
0x43: {  	_ =	shalt  }
0x44: {  	_ =	shalt  }
0x45: {  	_ =	shalt  }
0x46: {  	_ =	shalt  }
0x47: {  	_ =	shalt  }
0x48: {  	_ =	shalt  }
0x49: {  	_ =	shalt  }
0x4a: {  	_ =	shalt  }
0x4b: {  	_ =	shalt  }
0x4c: {  	_ =	shalt  }
0x4d: {  	_ =	shalt  }
0x4e: {  	_ =	shalt  }
0x4f: {  	_ =	shalt  }
0x50: {  	_ =	shalt  }
0x51: {  	_ =	shalt  }
0x52: {  	_ =	shalt  }
0x53: {  	_ =	shalt  }
0x54: {  	_ =	shalt  }
0x55: {  	_ =	shalt  }
0x56: {  	_ =	shalt  }
0x57: {  	_ =	shalt  }
0x58: {  	_ =	shalt  }
0x59: {  	_ =	shalt  }
0x5a: {  	_ =	shalt  }
0x5b: {  	_ =	shalt  }
0x5c: {  	_ =	shalt  }
0x5d: {  	_ =	shalt  }
0x5e: {  	_ =	shalt  }
0x5f: {  	_ =	shalt  }
0x60: {  	_ =	shalt  }
0x61: {  	_ =	shalt  }
0x62: {  	_ =	shalt  }
0x63: {  	_ =	shalt  }
0x64: {  	_ =	shalt  }
0x65: {  	_ =	shalt  }
0x66: {  	_ =	shalt  }
0x67: {  	_ =	shalt  }
0x68: {  	_ =	shalt  }
0x69: {  	_ =	shalt  }
0x6a: {  	_ =	shalt  }
0x6b: {  	_ =	shalt  }
0x6c: {  	_ =	shalt  }
0x6d: {  	_ =	shalt  }
0x6e: {  	_ =	shalt  }
0x6f: {  	_ =	shalt  }
0x70: {  	_ =	shalt  }
0x71: {  	_ =	shalt  }
0x72: {  	_ =	shalt  }
0x73: {  	_ =	shalt  }
0x74: {  	_ =	shalt  }
0x75: {  	_ =	shalt  }
0x76: {  	_ =	shalt  }
0x77: {  	_ =	shalt  }
0x78: {  	_ =	shalt  }
0x79: {  	_ =	shalt  }
0x7a: {  	_ =	shalt  }
0x7b: {  	_ =	shalt  }
0x7c: {  	_ =	shalt  }
0x7d: {  	_ =	shalt  }
0x7e: {  	_ =	shalt  }
0x7f: {  	_ =	shalt  }
0x80: {  	_ =	shalt  }
0x81: {  	_ =	shalt  }
0x82: {  	_ =	shalt  }
0x83: {  	_ =	shalt  }
0x84: {  	_ =	shalt  }
0x85: {  	_ =	shalt  }
0x86: {  	_ =	shalt  }
0x87: {  	_ =	shalt  }
.Lfunc_end0:
.L_simem_size_0:
called_computation_lowered:
.L_overlay_start_0:
0x88: {  	s2 =	sld [smem:$0x3FD9]  }
0x89: {  	s3 =	sld [smem:$0x3FFE];
	_ =	sdelay $0x1  }
0x8a: {  	s1 =	srdreg.scid  }
0x8b: {  	s0 =	sand.u32 $0x1, s1  }
0x8c: {  	s18 =	sshll.u32 s0, $0xA;
	s2 =	sadd.s32 s3, s2  }
0x8d: {  	s2 =	sadd.s32 s2, s18  }
0x8e: {  	[smem:$0x3FC6] =	sst s2  }
0x8f: {  	_ = 	snop  }
0x90: {  	s2 =	sld [smem:$0x3FC9]  }
0x91: {  	s19 =	sld [smem:$0x3FC8]  }
0x92: {  	s4 =	sld [smem:$0x3FD0];
	(tm) =	ssettm $0x1  }
0x93: {  	s5 =	sld [smem:$0x3FFB];
	_ =	sdelay $0x3  }
0x94: {  	_ =	strace s5  }
0x95: {  	s5 =	sld [smem:$0x3FFC];
	_ =	sdelay $0x3  }
0x96: {  	_ =	strace s5  }
0x97: {  	s5 =	sld [smem:$0x3FFD];
	_ =	sdelay $0x3  }
0x98: {  	_ =	strace s5  }
0x99: {  	_ =	strace $0x8FFFFFFF  }
0x9a: {  	s20 =	sld [smem:$0x3FDB];
	_ =	sdelay $0x1  }
0x9b: {  	s6 =	simm.s32 $_scs_section_size  }
0x9c: {  	s7 =	simm.s32 $_size__tile_overlayer_lowered;
	s8 =	simm.s32 $_tile_overlayer_lowered  }
0x9d: {  	s23 =	simm.s32 $0x1BFF;
	s22 =	sshll.u32 s8, $0x1;
	s5 =	sadd.s32 s6, s20  }
0x9e: {  	s9 =	simm.s32 $0x0;
	s21 =	sshll.u32 s7, $0x1;
	s7 =	sadd.s32 s22, s5  }
0x9f: {  	[timem:s9], [sflag:s23] =	dma.local [hbm:s7], s21  }
0xa0: {  	_ =	swait.ge [sflag:s23], s21  }
0xa1: {  	s6 =	ssub.s32 $0x0, s21;
	[sflag:s23] =	ssyncset.done $0x0  }
0xa2: {  	[sflag:s23] =	ssyncadd.s32 s6;
	_ =	sdelay $0x1  }
0xa3: {  	s24 =	simm.s32 $0x1B8B  }
0xa4: {  	_ =	swait.ge [sflag:s24], $0x1  }
0xa5: {  	[sflag:s24] =	ssyncset.done $0x0  }
0xa6: {  	s25 =	simm.s32 $0x1B8E;
	[sflag:s24] =	ssyncadd.s32 $0xFFFFFFFF  }
0xa7: {  	s26 =	simm.s32 $execute0_lowered;
	[smem:$0x3FD2] =	sst s25  }
0xa8: {  	s6 =	sshll.u32 s26, $0x1;
	_ =	strace $0x80000046;
	[dreg:$0x1] =	wrdreg $0xFFFFFFFF  }
0xa9: {  	s28 =	simm.s32 $_size_execute0_lowered;
	s5 =	sadd.s32 s5, s6;
	[dreg:$0x0] =	wrdreg $0x0  }
0xaa: {  	s6 =	sshll.u32 s28, $0x1;
	[dreg:$0x2] =	wrdreg s5  }
0xab: {  	[dreg:$0x3] =	wrdreg s6  }
0xac: {  	[dreg:$0x4] =	wrdreg $0xC0  }
0xad: {  	_ =	task [dreg:s9], $0x5FFFF  }
0xae: {  	[dreg:$0x1] =	wrdreg $0xFFFFFFFF  }
0xaf: {  	[dreg:$0x0] =	wrdreg $0x60  }
0xb0: {  	[dreg:$0x2] =	wrdreg s2  }
0xb1: {  	[dreg:$0x3] =	wrdreg s19  }
0xb2: {  	[dreg:$0x4] =	wrdreg s4  }
0xb3: {  	[dreg:$0x5] =	wrdreg $0xC800  }
0xb4: {  	[dreg:$0x6] =	wrdreg $0x9  }
0xb5: {  	_ =	task.clear_ibuf [dreg:s9], $0x7FFFF;
	_ =	strace $0x90000046  }
0xb6: {  	s29 =	simm.s32 $0x9;
	_ =	strace $0x80000048  }
0xb7: {  	_ =	swait.ge [sflag:s29], $0x1  }
0xb8: {  	[sflag:s29] =	ssyncadd.s32 $0xFFFFFFFF  }
0xb9: {  	_ =	strace $0x90000048  }
0xba: {  	_ =	sfence  }
0xbb: {  	s30 =	sld [smem:$0x0];
	_ =	sdelay $0x2  }
0xbc: {  	s31 =	sshll.u32 s1, $0xD;
	s1 =	sshrl.u32 s1, $0x2  }
0xbd: {  	s3 =	sand.u32 $0x4000, s31;
	s1 =	sadd.s32 s1, s30  }
0xbe: {  	s0 =	sor.u32 s3, s0;
	s1 =	sshll.u32 s1, $0x11  }
0xbf: {  	s0 =	sor.u32 s1, s0  }
0xc0: {  	s0 =	sadd.s32 $0x8F2B, s0  }
0xc1: {  	[sflag:s0] =	ssyncadd.remote.s32 $0x1  }
0xc2: {  	_ =	sfence.sel $0xFFFF  }
0xc3: {  	[dreg:$0x0] =	wrdreg $0xFFFFFFFF;
	(pc) =	sbr.abs _section_cstart, $3  }
0xc4: {  	[dreg:$0x1] =	wrdreg $0xFFFFFFFF  }
0xc5: {  	_ =	task.clear_ibuf [dreg:s9], $0x2FFFF;
	_ =	strace $0x9FFFFFFF  }
0xc6: {  	(tm) =	ssettm $0x7FFFFFFF  }
0xc7: {  	_ =	shalt  }
tec
execute0_lowered:
.L_overlay_start_1:
0x0: {  	(tag) =	ssettag $0x1  }
0x1: {  	s0 =	rddreg [dreg:$0x0]  }
0x2: {  	s1 =	rddreg [dreg:$0x2]  }
0x3: {  	s3 =	srdreg.scid;
	s4 =	stileid.u32  }
0x4: {  	s2 =	rddreg [dreg:$0x3];
	s29 =	simm.s32 $0x1038;
	s31 =	simm.s32 $0xB838  }
0x5: {  	s28 =	simm.s32 $0x8;
	s30 =	simm.s32 $0x9;
	s18 =	smul.u32 $0x18800, s4  }
0x6: {  	s5 =	sand.u32 $0x1, s3;
	s25 =	sshll.u32 s4, $0x1;
	s20 =	smul.u32 $0x1880, s4  }
0x7: {  	s3 =	simm.s32 $0x0;
	s22 =	sadd.s32 $0x186400, s1;
	s12 =	smul.u32 $0xC400, s5  }
0x8: {  	s6 =	sor.u32 s5, s25;
	s7 =	ssub.s32 $0x2, s5;
	s5 =	smul.u32 $0xC40, s5  }
0x9: {  	[smem:$0x7FF] =	sst s3;
	s8 =	smul.u32 $0xC40, s6;
	s9 =	sshrl.u32 s7, $0x1  }
0xa: {  	s10 =	smul.u32 $0xC400, s6;
	_ =	strace $0x80000047;
	[dreg:$0xe] =	wrdreg s22  }
0xb: {  	s23 =	sadd.s32 s18, s1;
	p3 =	seq.s32 s6, $0x1F;
	s18 =	simm.s32 $0x70  }
0xc: {  	p4 =	sne.s32 s6, $0x1F;
	s6 =	simm.s32 $0xC;
	s22 =	simm.s32 $0x4838  }
0xd: {  	s7 =	ssub.s32 s7, s9;
	s25 =	sadd.s32 s5, s20;
	s20 =	simm.s32 $0x8038  }
0xe: {  	s5 =	simm.s32 $0xB;
	s26 =	sshrl.u32 s8, $0x3;
	s10 =	sadd.s32 s1, s10  }
0xf: {  	s17 =	sadd.s32 $0xFFFE84BF, s8;
	s19 =	sadd.s32 $0xFFFE852F, s8;
	s24 =	smax.u32 s7, $0x1  }
0x10: {  	s8 =	sadd.s32 $0xFFFE859F, s8;
	s9 =	sadd.s32 s0, s26;
	[dreg:$0xf] =	wrdreg s24  }
0x11: {  	s1 =	simm.s32 $0x1;
	s0 =	sadd.s32 $0x2F78, s0;
	[dreg:$0x5] =	wrdreg s9  }
0x12: {  	s7 =	simm.s32 $0xD;
	s13 =	sadd.s32 $0x9300, s10;
	[dreg:$0x6] =	wrdreg s0  }
0x13: {  	s14 =	sadd.s32 $0x9A00, s10;
	s15 =	sadd.s32 $0xA100, s10;
	[dreg:$0x7] =	wrdreg s13  }
0x14: {  	s16 =	sadd.s32 $0xA800, s10;
	p0 =	slt.u32 s17, $0x6F;
	[dreg:$0x8] =	wrdreg s14  }
0x15: {  	s21 =	sadd.s32 $0xB600, s10;
	s26 =	sadd.s32 $0x5B0, s25;
	[dreg:$0x9] =	wrdreg s15  }
0x16: {  	s25 =	simm.s32 $0x7;
	[dreg:$0xa] =	wrdreg s16;
	s11 =	simm.s32 @!p0 $0x0  }
0x17: {  	s13 =	sadd.s32 $0xAF00, s10;
	[dreg:$0xc] =	wrdreg s21;
	s0 =	sadd.s32 $0xBD00, s10  }
0x18: {  	[dreg:$0x11] =	wrdreg s26;
	s14 =	simm.s32 $0xF038;
	s15 =	simm.s32 $0x12838  }
0x19: {  	s16 =	simm.s32 $0x16038;
	s9 =	simm.s32 $0x3;
	[dreg:$0xb] =	wrdreg s13  }
0x1a: {  	s11 =	simm.s32 @p0 $0x1;
	p0 =	slt.u32 s19, $0x6F;
	[dreg:$0xd] =	wrdreg s0  }
0x1b: {  	s0 =	sadd.s32 s12, s23;
	[smem:$0x7F9] =	sst s11;
	s11 =	simm.s32 @!p0 $0x0  }
0x1c: {  	s0 =	sadd.s32 $0x2A00, s0;
	s11 =	simm.s32 @p0 $0x1;
	p0 =	sne.s32 s4, $0x0  }
0x1d: {  	s21 =	simm.s32 $0x4;
	[dreg:$0x10] =	wrdreg s0;
	s0 =	simm.s32 @!p0 $0x0  }
0x1e: {  	s19 =	simm.s32 $0x4838;
	s13 =	simm.s32 $0x5;
	s0 =	simm.s32 @p0 $0x1  }
0x1f: {  	[smem:$0x7FB] =	sst s0;
	s0 =	sshrl.u32 @!p0 s2, $0x3;
	p0 =	sgt.u32 s17, $0x6E  }
.Ltmp0:
0x20: {  	[dreg:$0x12] =	wrdreg s0;
	s0 =	simm.s32 @!p0 $0x0;
	(pc) =	sbr.rel .LBB2_1-.Ltmp0, $4  }
0x21: {  	s23 =	simm.s32 $0x6;
	s0 =	simm.s32 @p0 $0x1;
	p0 =	sgt.u32 s8, $0x6E  }
0x22: {  	s12 =	simm.s32 $0x0;
	[smem:$0x7FC] =	sst s0;
	s0 =	simm.s32 @!p0 $0x0  }
0x23: {  	s4 =	simm.s32 $0xA;
	[smem:$0x7FA] =	sst s11;
	s0 =	simm.s32 @p0 $0x1  }
0x24: {  	s8 =	simm.s32 $0xE;
	[smem:$0x7FD] =	sst s0;
	s0 =	simm.s32 $0x2  }
.LBB2_4:
0x25: {  	_ =	swait.ge [sflag:s21], $0x3800  }
0x26: {  	[sflag:s21] =	ssyncset.done $0x0  }
0x27: {  	s10 =	rddreg [dreg:$0xa];
	[sflag:s21] =	ssyncadd.s32 $0xFFFFC800  }
0x28: {  	[hbm4b:s10+s3] =	stream.linear.scatter [tilespmem:s31], [sflag:$0xB], $0x3800, $0x38;
	[tilespmem:$0x19838] =	vst v63  }
0x29: {  	_ =	swait.ge [sflag:s13], $0x3800  }
0x2a: {  	[sflag:s13] =	ssyncset.done $0x0;
	s16 =	sld [smem:$0x7FC]  }
0x2b: {  	s14 =	simm.s32 $0xF038;
	s12 =	rddreg [dreg:$0xb];
	[sflag:s13] =	ssyncadd.s32 $0xFFFFC800  }
0x2c: {  	[hbm4b:s12+s3] =	stream.linear.scatter [tilespmem:s14], [sflag:$0xC], $0x3800, $0x38;
	[tilespmem:$0x19838] =	vst v63  }
0x2d: {  	p2 =	seq.s32 s16, $0x1  }
0x2e: {  	s10 =	simm.s32 @!p2 $0x5  }
0x2f: {  	_ =	swait.ge @!p2 [sflag:s10], $0x3000  }
0x30: {  	[sflag:s10] =	ssyncset.done @!p2 $0x0  }
0x31: {  	s11 =	simm.s32 @!p2 $0xF038;
	[sflag:s10] =	ssyncadd.s32 @!p2 $0xFFFFD000;
	s10 =	simm.s32 @!p2 $0x0  }
0x32: {  	[hbm4b:s12+s10] =	stream.linear.scatter @!p2 [tilespmem:s11], [sflag:$0xC], $0x3000, $0x38;
	[tilespmem:$0x19838] =	vst v63  }
0x33: {  	_ =	swait.ge [sflag:s23], $0x3800  }
0x34: {  	s17 =	sld [smem:$0x7FA];
	[sflag:s23] =	ssyncset.done $0x0  }
0x35: {  	s15 =	simm.s32 $0x12838;
	s12 =	rddreg [dreg:$0xc];
	[sflag:s23] =	ssyncadd.s32 $0xFFFFC800  }
0x36: {  	[hbm4b:s12+s3] =	stream.linear.scatter [tilespmem:s15], [sflag:$0xD], $0x3800, $0x38;
	[tilespmem:$0x19838] =	vst v63  }
0x37: {  	p1 =	por @!p2 $0x0, $0x0;
	p0 =	seq.s32 s17, $0x1  }
0x38: {  	p0 =	por @!p2 p1, p1  }
0x39: {  	s10 =	simm.s32 @p0 $0x6  }
0x3a: {  	_ =	swait.ge @p0 [sflag:s10], $0x3000  }
0x3b: {  	[sflag:s10] =	ssyncset.done @p0 $0x0  }
0x3c: {  	s11 =	simm.s32 @p0 $0x12838;
	[sflag:s10] =	ssyncadd.s32 @p0 $0xFFFFD000;
	s10 =	simm.s32 @p0 $0x0  }
0x3d: {  	[hbm4b:s12+s10] =	stream.linear.scatter @p0 [tilespmem:s11], [sflag:$0xD], $0x3000, $0x38;
	[tilespmem:$0x19838] =	vst v63  }
0x3e: {  	_ =	swait.ge [sflag:s25], $0x3800  }
0x3f: {  	[sflag:s25] =	ssyncset.done $0x0;
	s24 =	sld [smem:$0x7FD]  }
0x40: {  	s16 =	simm.s32 $0x16038;
	s12 =	rddreg [dreg:$0xd];
	[sflag:s25] =	ssyncadd.s32 $0xFFFFC800  }
0x41: {  	[hbm4b:s12+s3] =	stream.linear.scatter [tilespmem:s16], [sflag:$0xE], $0x3800, $0x38;
	[tilespmem:$0x19838] =	vst v63  }
0x42: {  	p5 =	seq.s32 s24, $0x1  }
0x43: {  	s10 =	simm.s32 @!p5 $0x7  }
0x44: {  	p1 =	por $0x0, $0x0;
	_ =	swait.ge @!p5 [sflag:s10], $0x3000  }
0x45: {  	s11 =	simm.s32 @!p5 $0x16038;
	[sflag:s10] =	ssyncset.done @!p5 $0x0;
	s26 =	sld [smem:$0x7F9]  }
0x46: {  	p2 =	por @!p5 $0x1, $0x1;
	[sflag:s10] =	ssyncadd.s32 @!p5 $0xFFFFD000;
	s10 =	simm.s32 @!p5 $0x0  }
0x47: {  	[hbm4b:s12+s10] =	stream.linear.scatter @!p5 [tilespmem:s11], [sflag:$0xE], $0x3000, $0x38;
	[tilespmem:$0x19838] =	vst v63  }
0x48: {  	p1 =	por @!p5 p2, p2;
	s12 =	rddreg [dreg:$0x13];
	p5 =	seq.s32 s26, $0x1  }
.LBB2_5:
0x49: {  	_ =	swait.ge [sflag:s28], $0x3800  }
0x4a: {  	[sflag:s28] =	ssyncset.done $0x0  }
0x4b: {  	[sflag:s28] =	ssyncadd.s32 $0xFFFFC800  }
0x4c: {  	_ =	swait.ge [sflag:s30], $0x3800  }
0x4d: {  	[sflag:s30] =	ssyncset.done $0x0  }
0x4e: {  	[sflag:s30] =	ssyncadd.s32 $0xFFFFC800  }
0x4f: {  	_ =	swait.ge [sflag:s4], $0x3800  }
0x50: {  	[sflag:s4] =	ssyncset.done $0x0  }
0x51: {  	s10 =	simm.s32 @p4 $0xB;
	[sflag:s4] =	ssyncadd.s32 $0xFFFFC800  }
0x52: {  	_ =	swait.ge @p4 [sflag:s10], $0x3800  }
0x53: {  	[sflag:s10] =	ssyncset.done @p4 $0x0  }
0x54: {  	[sflag:s10] =	ssyncadd.s32 @p4 $0xFFFFC800;
	s10 =	simm.s32 @p4 $0xC  }
0x55: {  	_ =	swait.ge @p4 [sflag:s10], $0x3800  }
0x56: {  	[sflag:s10] =	ssyncset.done @p4 $0x0  }
0x57: {  	[sflag:s10] =	ssyncadd.s32 @p4 $0xFFFFC800;
	s10 =	simm.s32 @!p4 $0xB  }
0x58: {  	_ =	swait.ge @!p4 [sflag:s10], $0x3000  }
0x59: {  	[sflag:s10] =	ssyncset.done @!p4 $0x0  }
0x5a: {  	[sflag:s10] =	ssyncadd.s32 @!p4 $0xFFFFD000;
	s10 =	simm.s32 @p5 $0xC  }
0x5b: {  	_ =	swait.ge @p5 [sflag:s10], $0x3000  }
0x5c: {  	[sflag:s10] =	ssyncset.done @p5 $0x0  }
0x5d: {  	[sflag:s10] =	ssyncadd.s32 @p5 $0xFFFFD000;
	s10 =	simm.s32 @!p3 $0xD  }
0x5e: {  	_ =	swait.ge @!p3 [sflag:s10], $0x3800  }
0x5f: {  	[sflag:s10] =	ssyncset.done @!p3 $0x0  }
0x60: {  	[sflag:s10] =	ssyncadd.s32 @!p3 $0xFFFFC800;
	s10 =	simm.s32 @p0 $0xD  }
0x61: {  	_ =	swait.ge @p0 [sflag:s10], $0x3000  }
0x62: {  	[sflag:s10] =	ssyncset.done @p0 $0x0  }
0x63: {  	[sflag:s10] =	ssyncadd.s32 @p0 $0xFFFFD000;
	s10 =	simm.s32 @!p3 $0xE  }
0x64: {  	_ =	swait.ge @!p3 [sflag:s10], $0x3800  }
0x65: {  	[sflag:s10] =	ssyncset.done @!p3 $0x0  }
0x66: {  	[sflag:s10] =	ssyncadd.s32 @!p3 $0xFFFFC800;
	s10 =	simm.s32 @p1 $0xE  }
0x67: {  	_ =	swait.ge @p1 [sflag:s10], $0x3000  }
0x68: {  	s12 =	sadd.s32 $0x1, s12;
	s11 =	rddreg [dreg:$0xf]  }
0x69: {  	p0 =	sne.s32 s12, s11  }
.Ltmp1:
0x6a: {  	_ = 	snop;
	(pc) =	sbr.rel @!p0 .LBB2_6-.Ltmp1, $3  }
0x6b: {  	_ =	sdelay $0x1  }
0x6c: {  	[sflag:s10] =	ssyncset.done @p1 $0x0  }
0x6d: {  	[sflag:s10] =	ssyncadd.s32 @p1 $0xFFFFD000  }
.LBB2_1:
0x6e: {  	s10 =	sld [smem:$0x7FB];
	_ =	sdelay $0x1  }
0x6f: {  	[dreg:$0x13] =	wrdreg s12  }
0x70: {  	s11 =	rddreg [dreg:$0x1];
	p0 =	seq.s32 s10, $0x1  }
0x71: {  	s12 =	rddreg [dreg:$0x12];
	s10 =	simm.s32 @!p0 $0x1C01  }
0x72: {  	[spmem:s12], [sflag:s10] =	dma.local @!p0 [hbm:s11], $0x770  }
0x73: {  	s10 =	simm.s32 @p3 $0x0;
	s11 =	rddreg [dreg:$0x6]  }
0x74: {  	[tilespmem:s10], [sflag:$0xF] =	stream.linear.gather @p3 [hbm4b:s11+s10], $0xAE0, $0x38;
	[tilespmem:$0x19838] =	vst v63  }
0x75: {  	s10 =	simm.s32 @p3 $0xF  }
0x76: {  	_ =	swait.ge @p3 [sflag:s10], $0xAE0  }
0x77: {  	[sflag:s10] =	ssyncset.done @p3 $0x0  }
0x78: {  	s11 =	rddreg [dreg:$0x5];
	[sflag:s10] =	ssyncadd.s32 @p3 $0xFFFFF520;
	s10 =	simm.s32 @!p3 $0x0  }
0x79: {  	[tilespmem:s10], [sflag:$0xF] =	stream.linear.gather @!p3 [hbm4b:s11+s10], $0xC40, $0x38;
	[tilespmem:$0x19838] =	vst v63  }
0x7a: {  	s10 =	simm.s32 @!p3 $0xF  }
0x7b: {  	_ =	swait.ge @!p3 [sflag:s10], $0xC40  }
0x7c: {  	[sflag:s10] =	ssyncset.done @!p3 $0x0  }
0x7d: {  	[sflag:s10] =	ssyncadd.s32 @!p3 $0xFFFFF3C0;
	s10 =	simm.s32 @!p0 $0x1  }
0x7e: {  	_ =	swait.ge @!p0 [sflag:s10], $0x770  }
0x7f: {  	[sflag:s10] =	ssyncset.done @!p0 $0x0  }
0x80: {  	[sflag:s10] =	ssyncadd.s32 @!p0 $0xFFFFF890  }
0x81: {  	[bflag:$0x0] =	sbarrier.arrive $0xFFFF  }
0x82: {  	[tilespmem:s29], [sflag:$0x1] =	stream.indirect.gather [spmem:s2], $0x80, s3, s18, $0xb8;
	[tilespmem:$0x19838] =	vst v63  }
0x83: {  	_ = 	snop  }
0x84: {  	[tilespmem:s19], [sflag:$0x2] =	stream.indirect.gather [spmem:s2], $0x80, s18, s18, $0xb8;
	[tilespmem:$0x19838] =	vst v63  }
0x85: {  	s26 =	simm.s32 $0xE0  }
0x86: {  	[tilespmem:s20], [sflag:$0x3] =	stream.indirect.gather [spmem:s2], $0x80, s26, s18, $0xb8;
	[tilespmem:$0x19838] =	vst v63  }
0x87: {  	s11 =	simm.s32 $0x150  }
0x88: {  	[tilespmem:s31], [sflag:$0x4] =	stream.indirect.gather [spmem:s2], $0x80, s11, s18, $0xb8;
	[tilespmem:$0x19838] =	vst v63  }
0x89: {  	s12 =	simm.s32 $0x1C0  }
0x8a: {  	[tilespmem:s14], [sflag:$0x5] =	stream.indirect.gather [spmem:s2], $0x80, s12, s18, $0xb8;
	[tilespmem:$0x19838] =	vst v63  }
0x8b: {  	s17 =	simm.s32 $0x230  }
0x8c: {  	[tilespmem:s15], [sflag:$0x6] =	stream.indirect.gather [spmem:s2], $0x80, s17, s18, $0xb8;
	[tilespmem:$0x19838] =	vst v63  }
0x8d: {  	s24 =	simm.s32 $0x2A0  }
0x8e: {  	[tilespmem:s16], [sflag:$0x7] =	stream.indirect.gather [spmem:s2], $0x80, s24, s18, $0xb8;
	[tilespmem:$0x19838] =	vst v63  }
0x8f: {  	_ =	swait.ge [sflag:s1], $0x3800  }
0x90: {  	[sflag:s1] =	ssyncset.done $0x0;
	s17 =	rddreg [dreg:$0x10]  }
0x91: {  	s26 =	sadd.s32 $0xFFFFD600, s17;
	[sflag:s1] =	ssyncadd.s32 $0xFFFFC800  }
0x92: {  	[hbm4b:s26+s3] =	stream.linear.scatter [tilespmem:s29], [sflag:$0x8], $0x3800, $0x38;
	[tilespmem:$0x19838] =	vst v63  }
0x93: {  	_ =	swait.ge [sflag:s0], $0x3800  }
0x94: {  	[sflag:s0] =	ssyncset.done $0x0  }
0x95: {  	s11 =	sadd.s32 $0xFFFFDD00, s17;
	[sflag:s0] =	ssyncadd.s32 $0xFFFFC800  }
0x96: {  	[hbm4b:s11+s3] =	stream.linear.scatter [tilespmem:s19], [sflag:$0x9], $0x3800, $0x38;
	[tilespmem:$0x19838] =	vst v63  }
0x97: {  	_ =	swait.ge [sflag:s9], $0x3800  }
0x98: {  	[sflag:s9] =	ssyncset.done $0x0  }
0x99: {  	s12 =	sadd.s32 $0xFFFFE400, s17;
	[sflag:s9] =	ssyncadd.s32 $0xFFFFC800  }
0x9a: {  	[hbm4b:s12+s3] =	stream.linear.scatter [tilespmem:s20], [sflag:$0xA], $0x3800, $0x38;
	[tilespmem:$0x19838] =	vst v63  }
0x9b: {  	_ =	swait.ge [sflag:s21], $0x3800  }
0x9c: {  	[sflag:s21] =	ssyncset.done $0x0  }
0x9d: {  	s24 =	sadd.s32 $0xFFFFEB00, s17;
	[sflag:s21] =	ssyncadd.s32 $0xFFFFC800  }
0x9e: {  	[hbm4b:s24+s3] =	stream.linear.scatter [tilespmem:s31], [sflag:$0xB], $0x3800, $0x38;
	[tilespmem:$0x19838] =	vst v63  }
0x9f: {  	_ =	swait.ge [sflag:s13], $0x3800  }
0xa0: {  	[sflag:s13] =	ssyncset.done $0x0  }
0xa1: {  	s26 =	sadd.s32 $0xFFFFF200, s17;
	[sflag:s13] =	ssyncadd.s32 $0xFFFFC800  }
0xa2: {  	[hbm4b:s26+s3] =	stream.linear.scatter [tilespmem:s14], [sflag:$0xC], $0x3800, $0x38;
	[tilespmem:$0x19838] =	vst v63  }
0xa3: {  	_ =	swait.ge [sflag:s23], $0x3800  }
0xa4: {  	[sflag:s23] =	ssyncset.done $0x0  }
0xa5: {  	s11 =	sadd.s32 $0xFFFFF900, s17;
	[sflag:s23] =	ssyncadd.s32 $0xFFFFC800  }
0xa6: {  	[hbm4b:s11+s3] =	stream.linear.scatter [tilespmem:s15], [sflag:$0xD], $0x3800, $0x38;
	[tilespmem:$0x19838] =	vst v63  }
0xa7: {  	_ =	swait.ge [sflag:s25], $0x3800  }
0xa8: {  	[sflag:s25] =	ssyncset.done $0x0  }
0xa9: {  	[sflag:s25] =	ssyncadd.s32 $0xFFFFC800  }
0xaa: {  	[hbm4b:s17+s3] =	stream.linear.scatter [tilespmem:s16], [sflag:$0xE], $0x3800, $0x38;
	[tilespmem:$0x19838] =	vst v63  }
0xab: {  	_ =	swait.ge [sflag:s28], $0x3800  }
0xac: {  	[sflag:s28] =	ssyncset.done $0x0  }
0xad: {  	s12 =	simm.s32 $0x310;
	[sflag:s28] =	ssyncadd.s32 $0xFFFFC800  }
0xae: {  	[tilespmem:s29], [sflag:$0x1] =	stream.indirect.gather [spmem:s2], $0x80, s12, s18, $0xb8;
	[tilespmem:$0x19838] =	vst v63  }
0xaf: {  	_ =	swait.ge [sflag:s30], $0x3800  }
0xb0: {  	[sflag:s30] =	ssyncset.done $0x0  }
0xb1: {  	s14 =	simm.s32 $0x380;
	[sflag:s30] =	ssyncadd.s32 $0xFFFFC800  }
0xb2: {  	[tilespmem:s19], [sflag:$0x2] =	stream.indirect.gather [spmem:s2], $0x80, s14, s18, $0xb8;
	[tilespmem:$0x19838] =	vst v63  }
0xb3: {  	s24 =	simm.s32 $0x3F0;
	s11 =	simm.s32 $0xC40;
	_ =	swait.ge [sflag:s4], $0x3800  }
0xb4: {  	s14 =	simm.s32 $0x460;
	s19 =	rddreg [dreg:$0x11];
	[sflag:s4] =	ssyncset.done $0x0  }
0xb5: {  	s15 =	sadd.s32 $0xFFFFFEB0, s19;
	s16 =	sadd.s32 $0xFFFFFF20, s19;
	[sflag:s4] =	ssyncadd.s32 $0xFFFFC800  }
0xb6: {  	[tilespmem:s20], [sflag:$0x3] =	stream.indirect.gather [spmem:s2], $0x80, s24, s18, $0xb8;
	[tilespmem:$0x19838] =	vst v63  }
0xb7: {  	s26 =	sadd.s32 $0xFFFFFF90, s19;
	p0 =	sgt.u32 s15, $0x18630;
	_ =	swait.ge [sflag:s5], $0x3800  }
0xb8: {  	p1 =	sgt.u32 s16, $0x18630;
	s10 =	simm.s32 @p0 $0x60;
	[sflag:s5] =	ssyncset.done $0x0  }
0xb9: {  	s12 =	simm.s32 @p0 $0xB838;
	s15 =	sadd.s32 @p1 $0xFFFE78EF, s19;
	[sflag:s5] =	ssyncadd.s32 $0xFFFFC800  }
0xba: {  	[tilespmem:s12], [sflag:$0x4] =	stream.indirect.gather @p0 [spmem:s2], $0x80, s14, s10, $0xb8;
	[tilespmem:$0x19838] =	vst v63  }
0xbb: {  	p2 =	sgt.u32 @p1 s15, $0x6E;
	s10 =	simm.s32 @!p0 $0x70;
	s12 =	simm.s32 @!p0 $0xB838  }
0xbc: {  	[tilespmem:s12], [sflag:$0x4] =	stream.indirect.gather @!p0 [spmem:s2], $0x80, s14, s10, $0xb8;
	[tilespmem:$0x19838] =	vst v63  }
0xbd: {  	s20 =	simm.s32 $0x8038;
	p2 =	por p2, !p1;
	_ =	swait.ge [sflag:s6], $0x3800  }
0xbe: {  	p0 =	sgt.u32 s26, $0x18630;
	s10 =	simm.s32 @!p2 $0xF038;
	[sflag:s6] =	ssyncset.done $0x0  }
0xbf: {  	s12 =	simm.s32 @!p2 $0x4D0;
	s14 =	simm.s32 @!p2 $0x60;
	[sflag:s6] =	ssyncadd.s32 $0xFFFFC800  }
0xc0: {  	[tilespmem:s10], [sflag:$0x5] =	stream.indirect.gather @!p2 [spmem:s2], $0x80, s12, s14, $0xb8;
	[tilespmem:$0x19838] =	vst v63  }
0xc1: {  	s15 =	simm.s32 @!p1 $0x70;
	s12 =	sadd.s32 $0x310, s19;
	s10 =	sadd.s32 @p0 $0xFFFE795F, s19  }
0xc2: {  	s14 =	simm.s32 @!p1 $0xF038;
	p2 =	sgt.u32 @p0 s10, $0x6E;
	s10 =	simm.s32 @!p1 $0x4D0  }
0xc3: {  	[tilespmem:s14], [sflag:$0x5] =	stream.indirect.gather @!p1 [spmem:s2], $0x80, s10, s15, $0xb8;
	[tilespmem:$0x19838] =	vst v63  }
0xc4: {  	s10 =	simm.s32 @!p0 $0x540;
	p2 =	por p2, !p0;
	_ =	swait.ge [sflag:s7], $0x3800  }
0xc5: {  	p1 =	sgt.u32 s19, $0x18630;
	s14 =	simm.s32 @!p2 $0x12838;
	[sflag:s7] =	ssyncset.done $0x0  }
0xc6: {  	s15 =	simm.s32 @!p2 $0x540;
	s16 =	simm.s32 @!p2 $0x60;
	[sflag:s7] =	ssyncadd.s32 $0xFFFFC800  }
0xc7: {  	[tilespmem:s14], [sflag:$0x6] =	stream.indirect.gather @!p2 [spmem:s2], $0x80, s15, s16, $0xb8;
	[tilespmem:$0x19838] =	vst v63  }
0xc8: {  	s14 =	simm.s32 @!p0 $0x70;
	s15 =	simm.s32 @!p0 $0x12838;
	s16 =	sadd.s32 @p1 $0xFFFE79CF, s19  }
0xc9: {  	[tilespmem:s15], [sflag:$0x6] =	stream.indirect.gather @!p0 [spmem:s2], $0x80, s10, s14, $0xb8;
	[tilespmem:$0x19838] =	vst v63  }
0xca: {  	s14 =	sadd.s32 $0x3100, s17;
	p0 =	sgt.u32 @p1 s16, $0x6E;
	_ =	swait.ge [sflag:s8], $0x3800  }
0xcb: {  	s15 =	simm.s32 @!p1 $0x5B0;
	p5 =	por p0, !p1;
	[sflag:s8] =	ssyncset.done $0x0  }
0xcc: {  	s10 =	simm.s32 @!p5 $0x0;
	s16 =	simm.s32 @!p5 $0x16038;
	[sflag:s8] =	ssyncadd.s32 $0xFFFFC800  }
.LBB2_2:
0xcd: {  	s24 =	sadd.s32 @!p5 $0x5B0, s10;
	s26 =	simm.s32 @!p5 $0x60  }
0xce: {  	s17 =	smov.u32 s11;
	s11 =	sadd.s32 $0xC40, s11;
	s10 =	smov.u32 s12  }
0xcf: {  	[tilespmem:s16], [sflag:$0x7] =	stream.indirect.gather @!p5 [spmem:s2], $0x80, s24, s26, $0xb8;
	[tilespmem:$0x19838] =	vst v63  }
0xd0: {  	p0 =	sne.s32 s11, $0x24C0;
	s16 =	simm.s32 @!p1 $0x70;
	s24 =	simm.s32 @!p1 $0x16038  }
0xd1: {  	[tilespmem:s24], [sflag:$0x7] =	stream.indirect.gather @!p1 [spmem:s2], $0x80, s15, s16, $0xb8;
	[tilespmem:$0x19838] =	vst v63  }
0xd2: {  	s15 =	sadd.s32 $0xFFFFD600, s14;
	_ =	swait.ge [sflag:s1], $0x3800  }
0xd3: {  	[sflag:s1] =	ssyncset.done $0x0  }
0xd4: {  	[sflag:s1] =	ssyncadd.s32 $0xFFFFC800  }
0xd5: {  	[hbm4b:s15+s3] =	stream.linear.scatter [tilespmem:s29], [sflag:$0x8], $0x3800, $0x38;
	[tilespmem:$0x19838] =	vst v63  }
0xd6: {  	s15 =	sadd.s32 $0xFFFFDD00, s14;
	_ =	swait.ge [sflag:s0], $0x3800  }
0xd7: {  	[sflag:s0] =	ssyncset.done $0x0  }
0xd8: {  	[sflag:s0] =	ssyncadd.s32 $0xFFFFC800  }
0xd9: {  	[hbm4b:s15+s3] =	stream.linear.scatter [tilespmem:s22], [sflag:$0x9], $0x3800, $0x38;
	[tilespmem:$0x19838] =	vst v63  }
0xda: {  	s15 =	sadd.s32 $0xFFFFE400, s14;
	_ =	swait.ge [sflag:s9], $0x3800  }
0xdb: {  	[sflag:s9] =	ssyncset.done $0x0  }
0xdc: {  	[sflag:s9] =	ssyncadd.s32 $0xFFFFC800  }
0xdd: {  	[hbm4b:s15+s3] =	stream.linear.scatter [tilespmem:s20], [sflag:$0xA], $0x3800, $0x38;
	[tilespmem:$0x19838] =	vst v63  }
0xde: {  	s15 =	sadd.s32 $0xFFFFEB00, s14;
	_ =	swait.ge [sflag:s21], $0x3800  }
0xdf: {  	[sflag:s21] =	ssyncset.done $0x0  }
0xe0: {  	[sflag:s21] =	ssyncadd.s32 $0xFFFFC800  }
0xe1: {  	[hbm4b:s15+s3] =	stream.linear.scatter [tilespmem:s31], [sflag:$0xB], $0x3800, $0x38;
	[tilespmem:$0x19838] =	vst v63  }
0xe2: {  	s15 =	sadd.s32 $0xFFFFF200, s14;
	_ =	swait.ge [sflag:s13], $0x3800  }
0xe3: {  	[sflag:s13] =	ssyncset.done $0x0  }
0xe4: {  	s16 =	simm.s32 $0xF038;
	[sflag:s13] =	ssyncadd.s32 $0xFFFFC800  }
0xe5: {  	[hbm4b:s15+s3] =	stream.linear.scatter [tilespmem:s16], [sflag:$0xC], $0x3800, $0x38;
	[tilespmem:$0x19838] =	vst v63  }
0xe6: {  	s15 =	sadd.s32 $0xFFFFF900, s14;
	_ =	swait.ge [sflag:s23], $0x3800  }
0xe7: {  	[sflag:s23] =	ssyncset.done $0x0  }
0xe8: {  	s16 =	simm.s32 $0x12838;
	[sflag:s23] =	ssyncadd.s32 $0xFFFFC800  }
0xe9: {  	[hbm4b:s15+s3] =	stream.linear.scatter [tilespmem:s16], [sflag:$0xD], $0x3800, $0x38;
	[tilespmem:$0x19838] =	vst v63  }
0xea: {  	_ =	swait.ge [sflag:s25], $0x3800  }
0xeb: {  	[sflag:s25] =	ssyncset.done $0x0  }
0xec: {  	s15 =	sshra.s32 s17, $0x2;
	s16 =	simm.s32 $0x16038;
	[sflag:s25] =	ssyncadd.s32 $0xFFFFC800  }
0xed: {  	[hbm4b:s14+s3] =	stream.linear.scatter [tilespmem:s16], [sflag:$0xE], $0x3800, $0x38;
	[tilespmem:$0x19838] =	vst v63  }
0xee: {  	s16 =	sadd.s32 $0x310, s15;
	_ =	swait.ge [sflag:s28], $0x3800  }
0xef: {  	[sflag:s28] =	ssyncset.done $0x0  }
0xf0: {  	[sflag:s28] =	ssyncadd.s32 $0xFFFFC800  }
0xf1: {  	[tilespmem:s29], [sflag:$0x1] =	stream.indirect.gather [spmem:s2], $0x80, s16, s18, $0xb8;
	[tilespmem:$0x19838] =	vst v63  }
0xf2: {  	s12 =	sadd.s32 $0x310, s12;
	s16 =	sadd.s32 $0x380, s15;
	_ =	swait.ge [sflag:s30], $0x3800  }
0xf3: {  	s26 =	sadd.s32 $0xFFFFFF20, s10;
	s24 =	sadd.s32 $0xFFFFFEB0, s10;
	[sflag:s30] =	ssyncset.done $0x0  }
0xf4: {  	s31 =	sadd.s32 $0xFFFFFF90, s10;
	s29 =	sadd.s32 $0x460, s15;
	[sflag:s30] =	ssyncadd.s32 $0xFFFFC800  }
0xf5: {  	[tilespmem:s22], [sflag:$0x2] =	stream.indirect.gather [spmem:s2], $0x80, s16, s18, $0xb8;
	[tilespmem:$0x19838] =	vst v63  }
0xf6: {  	p5 =	sgt.u32 s31, $0x18630;
	s15 =	sadd.s32 $0x3F0, s15;
	_ =	swait.ge [sflag:s4], $0x3800  }
0xf7: {  	s31 =	sshra.s32 @!p5 s17, $0x2;
	s16 =	sadd.s32 @p5 $0xFFFE795F, s10;
	[sflag:s4] =	ssyncset.done $0x0  }
0xf8: {  	p1 =	sgt.u32 s26, $0x18630;
	p6 =	sgt.u32 s24, $0x18630;
	[sflag:s4] =	ssyncadd.s32 $0xFFFFC800  }
0xf9: {  	[tilespmem:s20], [sflag:$0x3] =	stream.indirect.gather [spmem:s2], $0x80, s15, s18, $0xb8;
	[tilespmem:$0x19838] =	vst v63  }
0xfa: {  	s24 =	simm.s32 @!p1 $0xF038;
	s15 =	simm.s32 @p6 $0x60;
	_ =	swait.ge [sflag:s5], $0x3800  }
0xfb: {  	s19 =	sadd.s32 @p1 $0xFFFE78EF, s10;
	s26 =	simm.s32 @p6 $0xB838;
	[sflag:s5] =	ssyncset.done $0x0  }
0xfc: {  	p2 =	sgt.u32 @p1 s19, $0x6E;
	s19 =	sshra.s32 @!p1 s17, $0x2;
	[sflag:s5] =	ssyncadd.s32 $0xFFFFC800  }
0xfd: {  	[tilespmem:s26], [sflag:$0x4] =	stream.indirect.gather @p6 [spmem:s2], $0x80, s29, s15, $0xb8;
	[tilespmem:$0x19838] =	vst v63  }
0xfe: {  	p2 =	por p2, !p1;
	s15 =	simm.s32 @!p6 $0x70;
	s26 =	simm.s32 @!p6 $0xB838  }
0xff: {  	[tilespmem:s26], [sflag:$0x4] =	stream.indirect.gather @!p6 [spmem:s2], $0x80, s29, s15, $0xb8;
	[tilespmem:$0x19838] =	vst v63  }
0x100: {  	s15 =	sshra.s32 @!p2 s17, $0x2  }
0x101: {  	s26 =	simm.s32 @!p2 $0xF038;
	s29 =	simm.s32 @!p2 $0x60;
	_ =	swait.ge [sflag:s6], $0x3800  }
0x102: {  	p6 =	sgt.u32 @p5 s16, $0x6E;
	s15 =	sadd.s32 @!p2 $0x4D0, s15;
	[sflag:s6] =	ssyncset.done $0x0  }
0x103: {  	s16 =	sadd.s32 @!p5 $0x540, s31;
	s31 =	simm.s32 $0xB838;
	[sflag:s6] =	ssyncadd.s32 $0xFFFFC800  }
0x104: {  	[tilespmem:s26], [sflag:$0x5] =	stream.indirect.gather @!p2 [spmem:s2], $0x80, s15, s29, $0xb8;
	[tilespmem:$0x19838] =	vst v63  }
0x105: {  	s14 =	sadd.s32 $0x3100, s14;
	s29 =	simm.s32 $0x1038  }
0x106: {  	s15 =	sadd.s32 @!p1 $0x4D0, s19;
	s19 =	simm.s32 @!p1 $0x70;
	p2 =	por p6, !p5  }
0x107: {  	[tilespmem:s24], [sflag:$0x5] =	stream.indirect.gather @!p1 [spmem:s2], $0x80, s15, s19, $0xb8;
	[tilespmem:$0x19838] =	vst v63  }
0x108: {  	p1 =	sgt.u32 s10, $0x18630;
	s15 =	sshra.s32 @!p2 s17, $0x2;
	_ =	swait.ge [sflag:s7], $0x3800  }
0x109: {  	s19 =	simm.s32 @!p2 $0x12838;
	s24 =	simm.s32 @!p2 $0x60;
	[sflag:s7] =	ssyncset.done $0x0  }
0x10a: {  	s15 =	sadd.s32 @!p2 $0x540, s15;
	s10 =	sadd.s32 @p1 $0xFFFE79CF, s10;
	[sflag:s7] =	ssyncadd.s32 $0xFFFFC800  }
0x10b: {  	[tilespmem:s19], [sflag:$0x6] =	stream.indirect.gather @!p2 [spmem:s2], $0x80, s15, s24, $0xb8;
	[tilespmem:$0x19838] =	vst v63  }
.Ltmp2:
0x10c: {  	s15 =	simm.s32 @!p5 $0x70;
	s19 =	simm.s32 @!p5 $0x12838;
	(pc) =	sbr.rel @p0 .LBB2_2-.Ltmp2, $4  }
0x10d: {  	[tilespmem:s19], [sflag:$0x6] =	stream.indirect.gather @!p5 [spmem:s2], $0x80, s16, s15, $0xb8;
	[tilespmem:$0x19838] =	vst v63  }
0x10e: {  	p2 =	sgt.u32 @p1 s10, $0x6E;
	s10 =	sshra.s32 @!p1 s17, $0x2;
	_ =	swait.ge [sflag:s8], $0x3800  }
0x10f: {  	p5 =	por p2, !p1;
	s15 =	sadd.s32 @!p1 $0x5B0, s10;
	[sflag:s8] =	ssyncset.done $0x0  }
0x110: {  	s10 =	sshra.s32 @!p5 s17, $0x2;
	s16 =	simm.s32 @!p5 $0x16038;
	[sflag:s8] =	ssyncadd.s32 $0xFFFFC800  }
0x111: {  	s10 =	sadd.s32 @!p5 $0x5B0, s10;
	s11 =	simm.s32 @!p5 $0x60  }
0x112: {  	[tilespmem:s16], [sflag:$0x7] =	stream.indirect.gather @!p5 [spmem:s2], $0x80, s10, s11, $0xb8;
	[tilespmem:$0x19838] =	vst v63  }
0x113: {  	s10 =	simm.s32 @!p1 $0x70;
	s11 =	simm.s32 @!p1 $0x16038  }
0x114: {  	[tilespmem:s11], [sflag:$0x7] =	stream.indirect.gather @!p1 [spmem:s2], $0x80, s15, s10, $0xb8;
	[tilespmem:$0x19838] =	vst v63  }
0x115: {  	_ =	swait.ge [sflag:s1], $0x3800  }
0x116: {  	[sflag:s1] =	ssyncset.done $0x0  }
0x117: {  	s19 =	rddreg [dreg:$0x7];
	[sflag:s1] =	ssyncadd.s32 $0xFFFFC800  }
0x118: {  	[hbm4b:s19+s3] =	stream.linear.scatter [tilespmem:s29], [sflag:$0x8], $0x3800, $0x38;
	[tilespmem:$0x19838] =	vst v63  }
0x119: {  	_ =	swait.ge [sflag:s0], $0x3800  }
0x11a: {  	[sflag:s0] =	ssyncset.done $0x0  }
0x11b: {  	s24 =	rddreg [dreg:$0x8];
	[sflag:s0] =	ssyncadd.s32 $0xFFFFC800  }
0x11c: {  	[hbm4b:s24+s3] =	stream.linear.scatter [tilespmem:s22], [sflag:$0x9], $0x3800, $0x38;
	[tilespmem:$0x19838] =	vst v63  }
.Ltmp3:
0x11d: {  	_ =	swait.ge [sflag:s9], $0x3800;
	(pc) =	sbr.rel @!p3 .LBB2_4-.Ltmp3, $4  }
0x11e: {  	[sflag:s9] =	ssyncset.done $0x0  }
0x11f: {  	s26 =	rddreg [dreg:$0x9];
	[sflag:s9] =	ssyncadd.s32 $0xFFFFC800  }
0x120: {  	[hbm4b:s26+s3] =	stream.linear.scatter [tilespmem:s20], [sflag:$0xA], $0x3800, $0x38;
	[tilespmem:$0x19838] =	vst v63  }
0x121: {  	s19 =	simm.s32 $0x4838;
	s20 =	simm.s32 $0x8038  }
.Ltmp4:
0x122: {  	_ =	swait.ge [sflag:s21], $0x3000;
	p5 =	por $0x0, $0x0;
	(pc) =	sbr.rel .LBB2_5-.Ltmp4, $4  }
0x123: {  	p0 =	por $0x0, $0x0;
	p1 =	por $0x0, $0x0;
	s14 =	simm.s32 $0xF038  }
0x124: {  	s15 =	simm.s32 $0x12838;
	[sflag:s21] =	ssyncset.done $0x0;
	s10 =	rddreg [dreg:$0xe]  }
0x125: {  	s16 =	simm.s32 $0x16038;
	s12 =	rddreg [dreg:$0x13];
	[sflag:s21] =	ssyncadd.s32 $0xFFFFD000  }
0x126: {  	[hbm4b:s10+s3] =	stream.linear.scatter [tilespmem:s31], [sflag:$0xB], $0x3000, $0x38;
	[tilespmem:$0x19838] =	vst v63  }
.LBB2_6:
0x127: {  	_ =	sfence.sel $0x180000  }
0x128: {  	[bflag:$0x0] =	sbarrier.arrive $0xFFFF  }
0x129: {  	_ =	strace $0x90000047  }
0x12a: {  	[bflag:$0x2] =	sbarrier.arrive $0xFFFF  }
0x12b: {  	s1 =	sld [smem:$0x7FB];
	_ =	sdelay $0x2  }
0x12c: {  	s0 =	rddreg [dreg:$0x4];
	p0 =	seq.s32 s1, $0x1  }
0x12d: {  	s0 =	sadd.s32 @!p0 $0x100000, s0  }
0x12e: {  	[sflag:s0] =	ssyncadd.tile.s32 @!p0 $0x1;
	_ =	shalt  }
.Lfunc_end2:
_tile_overlayer_lowered:
.L_overlay_start_2:
0x12f: {  	(tag) =	ssettag $0x2  }
0x130: {  	s0 =	rddreg [dreg:$0x0];
	s2 =	stileid.u32  }
0x131: {  	s1 =	rddreg [dreg:$0x1];
	p0 =	sne.s32 s2, $0x0  }
0x132: {  	s3 =	rddreg [dreg:$0x2];
	[bflag:$0x3] =	sbarrier.arrive $0xFFFF;
	s2 =	simm.s32 @!p0 $0x1C0F  }
0x133: {  	[timem:s3], [sflag:s2] =	dma.local @!p0 [hbm:s0], s1  }
0x134: {  	s0 =	simm.s32 @!p0 $0xF  }
0x135: {  	_ =	swait.ge @!p0 [sflag:s0], s1  }
0x136: {  	s1 =	ssub.s32 @!p0 $0x0, s1;
	[sflag:s0] =	ssyncset.done @!p0 $0x0  }
0x137: {  	[sflag:s0] =	ssyncadd.s32 @!p0 s1  }
0x138: {  	[bflag:$0x3] =	sbarrier.arrive $0xFFFF  }
0x139: {  	_ =	shalt  }

</sc_bundles>
